<compile_context>
chip_gen: v7x
topology: tpu7x:2x2x1
jax: 0.10.2.dev20260603
libtpu: 0.0.44.dev20260713+nightly
codegen_flags: <defaults>
</compile_context>

<pallas_src>
import functools
import math

import jax
import jax.numpy as jnp
from jax import lax
from jax.experimental import pallas as pl
from jax.experimental.pallas import tpu as pltpu
from jax.experimental.pallas import tpu_sc as plsc

_BETA = 1.0 - 0.001
_LOG_BETA = math.log(_BETA)
_NBINS = 32



def _make_sc_hist(b, h, w):
    info = plsc.get_sparse_core_info()
    nc, ns, lanes = info.num_cores, info.num_subcores, info.num_lanes
    nw = nc * ns
    slabs_per_b = nw // b
    rows = h // slabs_per_b
    assert b * h * w == nw * rows * w and w % lanes == 0

    mesh = plsc.VectorSubcoreMesh(core_axis_name="c", subcore_axis_name="s")

    @functools.partial(
        pl.kernel,
        mesh=mesh,
        out_type=jax.ShapeDtypeStruct((nw, _NBINS), jnp.float32),
        scratch_types=[
            pltpu.VMEM((rows, w), jnp.int32),
            pltpu.VMEM((4 * _NBINS * lanes,), jnp.float32),
            pltpu.VMEM((1, _NBINS), jnp.float32),
        ],
        compiler_params=pltpu.CompilerParams(needs_layout_passes=False),
        cost_estimate=pl.CostEstimate(
            flops=2 * b * h * w, bytes_accessed=4 * b * h * w,
            transcendentals=0),
    )
    def _sc_hist(t_hbm, out_hbm, lbl_v, bins_v, row_v):
        wid = lax.axis_index("s") * nc + lax.axis_index("c")
        batch = wid // slabs_per_b
        slab = wid % slabs_per_b
        pltpu.sync_copy(t_hbm.at[batch, pl.ds(slab * rows, rows)], lbl_v)

        zeros = jnp.zeros((lanes,), jnp.float32)
        for k in range(4 * _NBINS):
            bins_v[pl.ds(k * lanes, lanes)] = zeros

        lane_iota = lax.iota(jnp.int32, lanes)
        ones = jnp.ones((lanes,), jnp.float32)
        region = _NBINS * lanes

        def body(r, carry):
            for j in range(w // lanes):
                t_vec = lbl_v[r, pl.ds(j * lanes, lanes)]
                plsc.addupdate_scatter(
                    bins_v,
                    [t_vec * lanes + ((j % 4) * region + lane_iota)], ones)
            return carry

        lax.fori_loop(0, rows, body, 0)

        for half in range(_NBINS // lanes):
            acc = jnp.zeros((lanes,), jnp.float32)
            base = lane_iota * lanes + half * (lanes * lanes)
            for g in range(4):
                for l in range(lanes):
                    acc = acc + plsc.load_gather(
                        bins_v, [base + (g * region + l)])
            row_v[0, pl.ds(half * lanes, lanes)] = acc
        pltpu.sync_copy(row_v, out_hbm.at[pl.ds(wid, 1)])

    return _sc_hist



def _cbce_body(x_ref, t_ref, s_out_ref):
    step = pl.program_id(0) * pl.num_programs(1) + pl.program_id(1)

    x = x_ref[0]
    t = t_ref[...]

    m = jnp.max(x, axis=0, keepdims=True)
    s = jnp.sum(jnp.exp(x - m), axis=0, keepdims=True)
    lse = jnp.log(s) + m

    classes = jax.lax.broadcasted_iota(jnp.int32, x.shape, 0)
    onehot = classes == t
    contrib_s = jnp.sum(jnp.where(onehot, lse - x, 0.0), axis=(1, 2),
                        keepdims=True)

    @pl.when(step == 0)
    def _init():
        s_out_ref[...] = contrib_s

    @pl.when(step != 0)
    def _accum():
        s_out_ref[...] += contrib_s



def _combine_body(s_ref, h_ref, out_ref):
    s = s_ref[...]
    h = h_ref[...]
    n_row = jnp.sum(h, axis=0, keepdims=True)
    powb = jnp.exp(n_row * _LOG_BETA)
    w_row = jnp.where(n_row > 0.0, (1.0 - _BETA) / (1.0 - powb), 0.0)
    den = jnp.sum(w_row * n_row, keepdims=True)

    c = s.shape[0]
    prod = s[:, 0] * w_row
    i0 = jax.lax.broadcasted_iota(jnp.int32, (c, _NBINS), 0)
    i1 = jax.lax.broadcasted_iota(jnp.int32, (c, _NBINS), 1)
    num = jnp.sum(jnp.where(i0 == i1, prod, 0.0), keepdims=True)
    out_ref[...] = num / den


def kernel(logits, target):
    b, c, h, w = logits.shape
    sh = 128
    while h % sh != 0:
        sh //= 2
    nblk = h // sh

    hist = _make_sc_hist(b, h, w)(target)

    s_out = pl.pallas_call(
        _cbce_body,
        grid=(b, nblk),
        in_specs=[
            pl.BlockSpec((1, c, sh, w), lambda i, j: (i, 0, j, 0)),
            pl.BlockSpec((1, sh, w), lambda i, j: (i, j, 0)),
        ],
        out_specs=pl.BlockSpec((c, 1, 1), lambda i, j: (0, 0, 0)),
        out_shape=jax.ShapeDtypeStruct((c, 1, 1), jnp.float32),
        cost_estimate=pl.CostEstimate(
            flops=10 * b * c * h * w, bytes_accessed=4 * b * c * h * w,
            transcendentals=b * c * h * w),
    )(logits, target)

    out = pl.pallas_call(
        _combine_body,
        out_shape=jax.ShapeDtypeStruct((1, 1), jnp.float32),
    )(s_out, hist)
    return out[0, 0]

# --- scband reference (transcript-rebuilt; emitter-appended) ---
"""Pipeline reference for scband-class-balanced-losses-55645596287217 (READ-ONLY COPY).

The authoritative reference and input builder live on the scoring server;
editing this copy changes nothing except your own understanding.
"""

import jax, jax.numpy as jnp
import numpy as np

NCLASS = 19
BETA = 1.0 - 0.001


def setup_inputs(seed: int = 0) -> dict:
    key = jax.random.key(seed)
    k1, k2 = jax.random.split(key)
    logits = jax.random.normal(k1, (8, NCLASS, 512, 512), dtype=jnp.float32)
    target = jax.random.randint(k2, (8, 512, 512), 0, NCLASS, dtype=jnp.int32)
    return {"logits": logits, "target": target}


def reference(logits, target):
    # _class_balanced_weights: per-batch histogram over NCLASS bins (torch.histc on
    # integer labels in [0, nclass-1] == bincount), summed over batch.
    hist = jax.vmap(lambda t: jnp.bincount(t.reshape(-1), length=NCLASS))(target)  # [B, NCLASS]
    tvect_sum = jnp.sum(hist, axis=0).astype(jnp.float32)  # [NCLASS]
    w = (1.0 - BETA) / (1.0 - jnp.power(BETA, tvect_sum))
    # torch code sets inf entries (empty classes -> divide by zero) to 0
    w = jnp.where(jnp.isinf(w), 0.0, w)
    # F.cross_entropy(logits, target, weight=w, ignore_index=-1) with mean reduction:
    # sum_i w[t_i] * nll_i / sum_i w[t_i] over non-ignored pixels
    logp = jax.nn.log_softmax(logits, axis=1)  # [B, C, H, W]
    tgt = jnp.clip(target, 0, NCLASS - 1)
    picked = jnp.take_along_axis(logp, tgt[:, None, :, :], axis=1)[:, 0]  # [B, H, W]
    wt = w[tgt]  # [B, H, W]
    valid = (target != -1).astype(jnp.float32)
    loss = -jnp.sum(wt * picked * valid) / jnp.sum(wt * valid)
    return loss

if __name__ == "__main__":
    import jax
    _d = setup_inputs()
    print(jax.jit(kernel)(*tuple(_d.values())))

</pallas_src>

<mosaic_0001>
#map = affine_map<(d0, d1) -> (0, 0, 0)>
#map1 = affine_map<(d0, d1) -> (0, 0)>
module attributes {stable_mosaic.version = 14 : i64} {
  func.func @_sc_hist(%arg0: i32, %arg1: i32, %arg2: memref<8x512x512xi32, #tpu.memory_space<hbm>>, %arg3: memref<32x32xf32, #tpu.memory_space<hbm>>, %arg4: memref<128x512xi32, #tpu.memory_space<vmem>>, %arg5: memref<2048xf32, #tpu.memory_space<vmem>>, %arg6: memref<1x32xf32, #tpu.memory_space<vmem>>) attributes {dimension_semantics = [#tpu.dimension_semantics<core_parallel>, #tpu.dimension_semantics<subcore_parallel>], iteration_bounds = array<i64: 2, 16>, scalar_prefetch = 0 : i64, scratch_operands = 3 : i64, tpu.core_type = #tpu.core_type<sc_vector_subcore>, window_params = [{transform_indices = #map}, {transform_indices = #map1}]} {
    %mul3A = arith.constant 2 : i32
    %mul3A_0 = arith.muli %arg1, %mul3A : i32
    %add3A = arith.addi %mul3A_0, %arg0 : i32
    %jit3A = arith.constant 4 : i32
    %div3A = arith.divsi %add3A, %jit3A : i32
    %sign3A = arith.constant 0 : i32
    %sign3A_1 = arith.cmpi sgt, %add3A, %sign3A : i32
    %sign3A_2 = arith.extui %sign3A_1 : i1 to i32
    %sign3A_3 = arith.constant 0 : i32
    %sign3A_4 = arith.cmpi slt, %add3A, %sign3A_3 : i32
    %sign3A_5 = arith.extui %sign3A_4 : i1 to i32
    %sign3A_6 = arith.subi %sign3A_2, %sign3A_5 : i32
    %sign3A_7 = arith.constant 0 : i32
    %sign3A_8 = arith.cmpi sgt, %jit3A, %sign3A_7 : i32
    %sign3A_9 = arith.extui %sign3A_8 : i1 to i32
    %sign3A_10 = arith.constant 0 : i32
    %sign3A_11 = arith.cmpi slt, %jit3A, %sign3A_10 : i32
    %sign3A_12 = arith.extui %sign3A_11 : i1 to i32
    %sign3A_13 = arith.subi %sign3A_9, %sign3A_12 : i32
    %ne3A = arith.cmpi ne, %sign3A_6, %sign3A_13 : i32
    %rem3A = arith.remsi %add3A, %jit3A : i32
    %ne3A_14 = arith.constant 0 : i32
    %ne3A_15 = arith.cmpi ne, %rem3A, %ne3A_14 : i32
    %and3A = arith.andi %ne3A, %ne3A_15 : i1
    %sub3A = arith.constant 1 : i32
    %sub3A_16 = arith.subi %div3A, %sub3A : i32
    %select_n3A = arith.select %and3A, %sub3A_16, %div3A : i32
    %jit3A_17 = arith.constant 4 : i32
    %eq3A = arith.constant 0 : i32
    %eq3A_18 = arith.cmpi eq, %jit3A_17, %eq3A : i32
    %jit3A_19 = arith.constant 1 : i32
    %select_n3A_20 = arith.select %eq3A_18, %jit3A_19, %jit3A_17 : i32
    %rem3A_21 = arith.remsi %add3A, %select_n3A_20 : i32
    %ne3A_22 = arith.constant 0 : i32
    %ne3A_23 = arith.cmpi ne, %rem3A_21, %ne3A_22 : i32
    %lt3A = arith.constant 0 : i32
    %lt3A_24 = arith.cmpi slt, %rem3A_21, %lt3A : i32
    %lt3A_25 = arith.constant 0 : i32
    %lt3A_26 = arith.cmpi slt, %select_n3A_20, %lt3A_25 : i32
    %ne3A_27 = arith.xori %lt3A_24, %lt3A_26 : i1
    %and3A_28 = arith.andi %ne3A_27, %ne3A_23 : i1
    %add3A_29 = arith.addi %rem3A_21, %select_n3A_20 : i32
    %select_n3A_30 = arith.select %and3A_28, %add3A_29, %rem3A_21 : i32
    %mul3A_31 = arith.constant 128 : i32
    %mul3A_32 = arith.muli %select_n3A_30, %mul3A_31 : i32
    "tpu.region"() ({
      %run_scoped3A = tpu.sem_alloc : memref<!tpu.dma_semaphore, #tpu.memory_space<semaphore_mem>>
      %dma_start3A = arith.constant 0 : i32
      %dma_start3A_959 = tpu.memref_slice %arg2[%select_n3A, %mul3A_32, %dma_start3A] : memref<8x512x512xi32, #tpu.memory_space<hbm>> -> memref<1x128x512xi32, #tpu.memory_space<hbm>>
      %dma_start3A_960 = tpu.memref_squeeze %dma_start3A_959 : memref<1x128x512xi32, #tpu.memory_space<hbm>> -> memref<128x512xi32, #tpu.memory_space<hbm>>
      %dma_start3A_961 = arith.constant 0 : i32
      %dma_start3A_962 = tpu.memref_slice %arg2[%select_n3A, %mul3A_32, %dma_start3A_961] : memref<8x512x512xi32, #tpu.memory_space<hbm>> -> memref<1x128x512xi32, #tpu.memory_space<hbm>>
      %dma_start3A_963 = tpu.memref_squeeze %dma_start3A_962 : memref<1x128x512xi32, #tpu.memory_space<hbm>> -> memref<128x512xi32, #tpu.memory_space<hbm>>
      tpu.enqueue_dma source(%dma_start3A_963 : memref<128x512xi32, #tpu.memory_space<hbm>>) target(%arg4 : memref<128x512xi32, #tpu.memory_space<vmem>>) target_semaphore(%run_scoped3A : memref<!tpu.dma_semaphore, #tpu.memory_space<semaphore_mem>>)
      %dma_wait3A = arith.constant 0 : i32
      %dma_wait3A_964 = tpu.memref_slice %arg2[%select_n3A, %mul3A_32, %dma_wait3A] : memref<8x512x512xi32, #tpu.memory_space<hbm>> -> memref<1x128x512xi32, #tpu.memory_space<hbm>>
      %dma_wait3A_965 = tpu.memref_squeeze %dma_wait3A_964 : memref<1x128x512xi32, #tpu.memory_space<hbm>> -> memref<128x512xi32, #tpu.memory_space<hbm>>
      %dma_wait3A_966 = arith.constant 0 : i32
      %dma_wait3A_967 = tpu.memref_slice %arg2[%select_n3A, %mul3A_32, %dma_wait3A_966] : memref<8x512x512xi32, #tpu.memory_space<hbm>> -> memref<1x128x512xi32, #tpu.memory_space<hbm>>
      %dma_wait3A_968 = tpu.memref_squeeze %dma_wait3A_967 : memref<1x128x512xi32, #tpu.memory_space<hbm>> -> memref<128x512xi32, #tpu.memory_space<hbm>>
      tpu.wait_dma2 semaphore(%run_scoped3A : memref<!tpu.dma_semaphore, #tpu.memory_space<semaphore_mem>>) src(%dma_wait3A_968 : memref<128x512xi32, #tpu.memory_space<hbm>>) dst(%arg4 : memref<128x512xi32, #tpu.memory_space<vmem>>)
      tpu.yield
    }) : () -> ()
    %broadcast_in_dim3A = arith.constant 0.000000e+00 : f32
    %broadcast_in_dim3A_33 = vector.broadcast %broadcast_in_dim3A : f32 to vector<16xf32>
    %swap3A = arith.constant 0 : index
    %swap3A_34 = tpu.vector_load %arg5[%swap3A] {strides = array<i32>} : memref<2048xf32, #tpu.memory_space<vmem>>, vector<16xf32>,
    tpu.vector_store %arg5[%swap3A], %broadcast_in_dim3A_33 {strides = array<i32>} : memref<2048xf32, #tpu.memory_space<vmem>>, vector<16xf32>,
    %swap3A_35 = arith.constant 16 : index
    %swap3A_36 = tpu.vector_load %arg5[%swap3A_35] {strides = array<i32>} : memref<2048xf32, #tpu.memory_space<vmem>>, vector<16xf32>,
    tpu.vector_store %arg5[%swap3A_35], %broadcast_in_dim3A_33 {strides = array<i32>} : memref<2048xf32, #tpu.memory_space<vmem>>, vector<16xf32>,
    %swap3A_37 = arith.constant 32 : index
    %swap3A_38 = tpu.vector_load %arg5[%swap3A_37] {strides = array<i32>} : memref<2048xf32, #tpu.memory_space<vmem>>, vector<16xf32>,
    tpu.vector_store %arg5[%swap3A_37], %broadcast_in_dim3A_33 {strides = array<i32>} : memref<2048xf32, #tpu.memory_space<vmem>>, vector<16xf32>,
    %swap3A_39 = arith.constant 48 : index
    %swap3A_40 = tpu.vector_load %arg5[%swap3A_39] {strides = array<i32>} : memref<2048xf32, #tpu.memory_space<vmem>>, vector<16xf32>,
    tpu.vector_store %arg5[%swap3A_39], %broadcast_in_dim3A_33 {strides = array<i32>} : memref<2048xf32, #tpu.memory_space<vmem>>, vector<16xf32>,
    %swap3A_41 = arith.constant 64 : index
    %swap3A_42 = tpu.vector_load %arg5[%swap3A_41] {strides = array<i32>} : memref<2048xf32, #tpu.memory_space<vmem>>, vector<16xf32>,
    tpu.vector_store %arg5[%swap3A_41], %broadcast_in_dim3A_33 {strides = array<i32>} : memref<2048xf32, #tpu.memory_space<vmem>>, vector<16xf32>,
    %swap3A_43 = arith.constant 80 : index
    %swap3A_44 = tpu.vector_load %arg5[%swap3A_43] {strides = array<i32>} : memref<2048xf32, #tpu.memory_space<vmem>>, vector<16xf32>,
    tpu.vector_store %arg5[%swap3A_43], %broadcast_in_dim3A_33 {strides = array<i32>} : memref<2048xf32, #tpu.memory_space<vmem>>, vector<16xf32>,
    %swap3A_45 = arith.constant 96 : index
    %swap3A_46 = tpu.vector_load %arg5[%swap3A_45] {strides = array<i32>} : memref<2048xf32, #tpu.memory_space<vmem>>, vector<16xf32>,
    tpu.vector_store %arg5[%swap3A_45], %broadcast_in_dim3A_33 {strides = array<i32>} : memref<2048xf32, #tpu.memory_space<vmem>>, vector<16xf32>,
    %swap3A_47 = arith.constant 112 : index
    %swap3A_48 = tpu.vector_load %arg5[%swap3A_47] {strides = array<i32>} : memref<2048xf32, #tpu.memory_space<vmem>>, vector<16xf32>,
    tpu.vector_store %arg5[%swap3A_47], %broadcast_in_dim3A_33 {strides = array<i32>} : memref<2048xf32, #tpu.memory_space<vmem>>, vector<16xf32>,
    %swap3A_49 = arith.constant 128 : index
    %swap3A_50 = tpu.vector_load %arg5[%swap3A_49] {strides = array<i32>} : memref<2048xf32, #tpu.memory_space<vmem>>, vector<16xf32>,
    tpu.vector_store %arg5[%swap3A_49], %broadcast_in_dim3A_33 {strides = array<i32>} : memref<2048xf32, #tpu.memory_space<vmem>>, vector<16xf32>,
    %swap3A_51 = arith.constant 144 : index
    %swap3A_52 = tpu.vector_load %arg5[%swap3A_51] {strides = array<i32>} : memref<2048xf32, #tpu.memory_space<vmem>>, vector<16xf32>,
    tpu.vector_store %arg5[%swap3A_51], %broadcast_in_dim3A_33 {strides = array<i32>} : memref<2048xf32, #tpu.memory_space<vmem>>, vector<16xf32>,
    %swap3A_53 = arith.constant 160 : index
    %swap3A_54 = tpu.vector_load %arg5[%swap3A_53] {strides = array<i32>} : memref<2048xf32, #tpu.memory_space<vmem>>, vector<16xf32>,
    tpu.vector_store %arg5[%swap3A_53], %broadcast_in_dim3A_33 {strides = array<i32>} : memref<2048xf32, #tpu.memory_space<vmem>>, vector<16xf32>,
    %swap3A_55 = arith.constant 176 : index
    %swap3A_56 = tpu.vector_load %arg5[%swap3A_55] {strides = array<i32>} : memref<2048xf32, #tpu.memory_space<vmem>>, vector<16xf32>,
    tpu.vector_store %arg5[%swap3A_55], %broadcast_in_dim3A_33 {strides = array<i32>} : memref<2048xf32, #tpu.memory_space<vmem>>, vector<16xf32>,
    %swap3A_57 = arith.constant 192 : index
    %swap3A_58 = tpu.vector_load %arg5[%swap3A_57] {strides = array<i32>} : memref<2048xf32, #tpu.memory_space<vmem>>, vector<16xf32>,
    tpu.vector_store %arg5[%swap3A_57], %broadcast_in_dim3A_33 {strides = array<i32>} : memref<2048xf32, #tpu.memory_space<vmem>>, vector<16xf32>,
    %swap3A_59 = arith.constant 208 : index
    %swap3A_60 = tpu.vector_load %arg5[%swap3A_59] {strides = array<i32>} : memref<2048xf32, #tpu.memory_space<vmem>>, vector<16xf32>,
    tpu.vector_store %arg5[%swap3A_59], %broadcast_in_dim3A_33 {strides = array<i32>} : memref<2048xf32, #tpu.memory_space<vmem>>, vector<16xf32>,
    %swap3A_61 = arith.constant 224 : index
    %swap3A_62 = tpu.vector_load %arg5[%swap3A_61] {strides = array<i32>} : memref<2048xf32, #tpu.memory_space<vmem>>, vector<16xf32>,
    tpu.vector_store %arg5[%swap3A_61], %broadcast_in_dim3A_33 {strides = array<i32>} : memref<2048xf32, #tpu.memory_space<vmem>>, vector<16xf32>,
    %swap3A_63 = arith.constant 240 : index
    %swap3A_64 = tpu.vector_load %arg5[%swap3A_63] {strides = array<i32>} : memref<2048xf32, #tpu.memory_space<vmem>>, vector<16xf32>,
    tpu.vector_store %arg5[%swap3A_63], %broadcast_in_dim3A_33 {strides = array<i32>} : memref<2048xf32, #tpu.memory_space<vmem>>, vector<16xf32>,
    %swap3A_65 = arith.constant 256 : index
    %swap3A_66 = tpu.vector_load %arg5[%swap3A_65] {strides = array<i32>} : memref<2048xf32, #tpu.memory_space<vmem>>, vector<16xf32>,
    tpu.vector_store %arg5[%swap3A_65], %broadcast_in_dim3A_33 {strides = array<i32>} : memref<2048xf32, #tpu.memory_space<vmem>>, vector<16xf32>,
    %swap3A_67 = arith.constant 272 : index
    %swap3A_68 = tpu.vector_load %arg5[%swap3A_67] {strides = array<i32>} : memref<2048xf32, #tpu.memory_space<vmem>>, vector<16xf32>,
    tpu.vector_store %arg5[%swap3A_67], %broadcast_in_dim3A_33 {strides = array<i32>} : memref<2048xf32, #tpu.memory_space<vmem>>, vector<16xf32>,
    %swap3A_69 = arith.constant 288 : index
    %swap3A_70 = tpu.vector_load %arg5[%swap3A_69] {strides = array<i32>} : memref<2048xf32, #tpu.memory_space<vmem>>, vector<16xf32>,
    tpu.vector_store %arg5[%swap3A_69], %broadcast_in_dim3A_33 {strides = array<i32>} : memref<2048xf32, #tpu.memory_space<vmem>>, vector<16xf32>,
    %swap3A_71 = arith.constant 304 : index
    %swap3A_72 = tpu.vector_load %arg5[%swap3A_71] {strides = array<i32>} : memref<2048xf32, #tpu.memory_space<vmem>>, vector<16xf32>,
    tpu.vector_store %arg5[%swap3A_71], %broadcast_in_dim3A_33 {strides = array<i32>} : memref<2048xf32, #tpu.memory_space<vmem>>, vector<16xf32>,
    %swap3A_73 = arith.constant 320 : index
    %swap3A_74 = tpu.vector_load %arg5[%swap3A_73] {strides = array<i32>} : memref<2048xf32, #tpu.memory_space<vmem>>, vector<16xf32>,
    tpu.vector_store %arg5[%swap3A_73], %broadcast_in_dim3A_33 {strides = array<i32>} : memref<2048xf32, #tpu.memory_space<vmem>>, vector<16xf32>,
    %swap3A_75 = arith.constant 336 : index
    %swap3A_76 = tpu.vector_load %arg5[%swap3A_75] {strides = array<i32>} : memref<2048xf32, #tpu.memory_space<vmem>>, vector<16xf32>,
    tpu.vector_store %arg5[%swap3A_75], %broadcast_in_dim3A_33 {strides = array<i32>} : memref<2048xf32, #tpu.memory_space<vmem>>, vector<16xf32>,
    %swap3A_77 = arith.constant 352 : index
    %swap3A_78 = tpu.vector_load %arg5[%swap3A_77] {strides = array<i32>} : memref<2048xf32, #tpu.memory_space<vmem>>, vector<16xf32>,
    tpu.vector_store %arg5[%swap3A_77], %broadcast_in_dim3A_33 {strides = array<i32>} : memref<2048xf32, #tpu.memory_space<vmem>>, vector<16xf32>,
    %swap3A_79 = arith.constant 368 : index
    %swap3A_80 = tpu.vector_load %arg5[%swap3A_79] {strides = array<i32>} : memref<2048xf32, #tpu.memory_space<vmem>>, vector<16xf32>,
    tpu.vector_store %arg5[%swap3A_79], %broadcast_in_dim3A_33 {strides = array<i32>} : memref<2048xf32, #tpu.memory_space<vmem>>, vector<16xf32>,
    %swap3A_81 = arith.constant 384 : index
    %swap3A_82 = tpu.vector_load %arg5[%swap3A_81] {strides = array<i32>} : memref<2048xf32, #tpu.memory_space<vmem>>, vector<16xf32>,
    tpu.vector_store %arg5[%swap3A_81], %broadcast_in_dim3A_33 {strides = array<i32>} : memref<2048xf32, #tpu.memory_space<vmem>>, vector<16xf32>,
    %swap3A_83 = arith.constant 400 : index
    %swap3A_84 = tpu.vector_load %arg5[%swap3A_83] {strides = array<i32>} : memref<2048xf32, #tpu.memory_space<vmem>>, vector<16xf32>,
    tpu.vector_store %arg5[%swap3A_83], %broadcast_in_dim3A_33 {strides = array<i32>} : memref<2048xf32, #tpu.memory_space<vmem>>, vector<16xf32>,
    %swap3A_85 = arith.constant 416 : index
    %swap3A_86 = tpu.vector_load %arg5[%swap3A_85] {strides = array<i32>} : memref<2048xf32, #tpu.memory_space<vmem>>, vector<16xf32>,
    tpu.vector_store %arg5[%swap3A_85], %broadcast_in_dim3A_33 {strides = array<i32>} : memref<2048xf32, #tpu.memory_space<vmem>>, vector<16xf32>,
    %swap3A_87 = arith.constant 432 : index
    %swap3A_88 = tpu.vector_load %arg5[%swap3A_87] {strides = array<i32>} : memref<2048xf32, #tpu.memory_space<vmem>>, vector<16xf32>,
    tpu.vector_store %arg5[%swap3A_87], %broadcast_in_dim3A_33 {strides = array<i32>} : memref<2048xf32, #tpu.memory_space<vmem>>, vector<16xf32>,
    %swap3A_89 = arith.constant 448 : index
    %swap3A_90 = tpu.vector_load %arg5[%swap3A_89] {strides = array<i32>} : memref<2048xf32, #tpu.memory_space<vmem>>, vector<16xf32>,
    tpu.vector_store %arg5[%swap3A_89], %broadcast_in_dim3A_33 {strides = array<i32>} : memref<2048xf32, #tpu.memory_space<vmem>>, vector<16xf32>,
    %swap3A_91 = arith.constant 464 : index
    %swap3A_92 = tpu.vector_load %arg5[%swap3A_91] {strides = array<i32>} : memref<2048xf32, #tpu.memory_space<vmem>>, vector<16xf32>,
    tpu.vector_store %arg5[%swap3A_91], %broadcast_in_dim3A_33 {strides = array<i32>} : memref<2048xf32, #tpu.memory_space<vmem>>, vector<16xf32>,
    %swap3A_93 = arith.constant 480 : index
    %swap3A_94 = tpu.vector_load %arg5[%swap3A_93] {strides = array<i32>} : memref<2048xf32, #tpu.memory_space<vmem>>, vector<16xf32>,
    tpu.vector_store %arg5[%swap3A_93], %broadcast_in_dim3A_33 {strides = array<i32>} : memref<2048xf32, #tpu.memory_space<vmem>>, vector<16xf32>,
    %swap3A_95 = arith.constant 496 : index
    %swap3A_96 = tpu.vector_load %arg5[%swap3A_95] {strides = array<i32>} : memref<2048xf32, #tpu.memory_space<vmem>>, vector<16xf32>,
    tpu.vector_store %arg5[%swap3A_95], %broadcast_in_dim3A_33 {strides = array<i32>} : memref<2048xf32, #tpu.memory_space<vmem>>, vector<16xf32>,
    %swap3A_97 = arith.constant 512 : index
    %swap3A_98 = tpu.vector_load %arg5[%swap3A_97] {strides = array<i32>} : memref<2048xf32, #tpu.memory_space<vmem>>, vector<16xf32>,
    tpu.vector_store %arg5[%swap3A_97], %broadcast_in_dim3A_33 {strides = array<i32>} : memref<2048xf32, #tpu.memory_space<vmem>>, vector<16xf32>,
    %swap3A_99 = arith.constant 528 : index
    %swap3A_100 = tpu.vector_load %arg5[%swap3A_99] {strides = array<i32>} : memref<2048xf32, #tpu.memory_space<vmem>>, vector<16xf32>,
    tpu.vector_store %arg5[%swap3A_99], %broadcast_in_dim3A_33 {strides = array<i32>} : memref<2048xf32, #tpu.memory_space<vmem>>, vector<16xf32>,
    %swap3A_101 = arith.constant 544 : index
    %swap3A_102 = tpu.vector_load %arg5[%swap3A_101] {strides = array<i32>} : memref<2048xf32, #tpu.memory_space<vmem>>, vector<16xf32>,
    tpu.vector_store %arg5[%swap3A_101], %broadcast_in_dim3A_33 {strides = array<i32>} : memref<2048xf32, #tpu.memory_space<vmem>>, vector<16xf32>,
    %swap3A_103 = arith.constant 560 : index
    %swap3A_104 = tpu.vector_load %arg5[%swap3A_103] {strides = array<i32>} : memref<2048xf32, #tpu.memory_space<vmem>>, vector<16xf32>,
    tpu.vector_store %arg5[%swap3A_103], %broadcast_in_dim3A_33 {strides = array<i32>} : memref<2048xf32, #tpu.memory_space<vmem>>, vector<16xf32>,
    %swap3A_105 = arith.constant 576 : index
    %swap3A_106 = tpu.vector_load %arg5[%swap3A_105] {strides = array<i32>} : memref<2048xf32, #tpu.memory_space<vmem>>, vector<16xf32>,
    tpu.vector_store %arg5[%swap3A_105], %broadcast_in_dim3A_33 {strides = array<i32>} : memref<2048xf32, #tpu.memory_space<vmem>>, vector<16xf32>,
    %swap3A_107 = arith.constant 592 : index
    %swap3A_108 = tpu.vector_load %arg5[%swap3A_107] {strides = array<i32>} : memref<2048xf32, #tpu.memory_space<vmem>>, vector<16xf32>,
    tpu.vector_store %arg5[%swap3A_107], %broadcast_in_dim3A_33 {strides = array<i32>} : memref<2048xf32, #tpu.memory_space<vmem>>, vector<16xf32>,
    %swap3A_109 = arith.constant 608 : index
    %swap3A_110 = tpu.vector_load %arg5[%swap3A_109] {strides = array<i32>} : memref<2048xf32, #tpu.memory_space<vmem>>, vector<16xf32>,
    tpu.vector_store %arg5[%swap3A_109], %broadcast_in_dim3A_33 {strides = array<i32>} : memref<2048xf32, #tpu.memory_space<vmem>>, vector<16xf32>,
    %swap3A_111 = arith.constant 624 : index
    %swap3A_112 = tpu.vector_load %arg5[%swap3A_111] {strides = array<i32>} : memref<2048xf32, #tpu.memory_space<vmem>>, vector<16xf32>,
    tpu.vector_store %arg5[%swap3A_111], %broadcast_in_dim3A_33 {strides = array<i32>} : memref<2048xf32, #tpu.memory_space<vmem>>, vector<16xf32>,
    %swap3A_113 = arith.constant 640 : index
    %swap3A_114 = tpu.vector_load %arg5[%swap3A_113] {strides = array<i32>} : memref<2048xf32, #tpu.memory_space<vmem>>, vector<16xf32>,
    tpu.vector_store %arg5[%swap3A_113], %broadcast_in_dim3A_33 {strides = array<i32>} : memref<2048xf32, #tpu.memory_space<vmem>>, vector<16xf32>,
    %swap3A_115 = arith.constant 656 : index
    %swap3A_116 = tpu.vector_load %arg5[%swap3A_115] {strides = array<i32>} : memref<2048xf32, #tpu.memory_space<vmem>>, vector<16xf32>,
    tpu.vector_store %arg5[%swap3A_115], %broadcast_in_dim3A_33 {strides = array<i32>} : memref<2048xf32, #tpu.memory_space<vmem>>, vector<16xf32>,
    %swap3A_117 = arith.constant 672 : index
    %swap3A_118 = tpu.vector_load %arg5[%swap3A_117] {strides = array<i32>} : memref<2048xf32, #tpu.memory_space<vmem>>, vector<16xf32>,
    tpu.vector_store %arg5[%swap3A_117], %broadcast_in_dim3A_33 {strides = array<i32>} : memref<2048xf32, #tpu.memory_space<vmem>>, vector<16xf32>,
    %swap3A_119 = arith.constant 688 : index
    %swap3A_120 = tpu.vector_load %arg5[%swap3A_119] {strides = array<i32>} : memref<2048xf32, #tpu.memory_space<vmem>>, vector<16xf32>,
    tpu.vector_store %arg5[%swap3A_119], %broadcast_in_dim3A_33 {strides = array<i32>} : memref<2048xf32, #tpu.memory_space<vmem>>, vector<16xf32>,
    %swap3A_121 = arith.constant 704 : index
    %swap3A_122 = tpu.vector_load %arg5[%swap3A_121] {strides = array<i32>} : memref<2048xf32, #tpu.memory_space<vmem>>, vector<16xf32>,
    tpu.vector_store %arg5[%swap3A_121], %broadcast_in_dim3A_33 {strides = array<i32>} : memref<2048xf32, #tpu.memory_space<vmem>>, vector<16xf32>,
    %swap3A_123 = arith.constant 720 : index
    %swap3A_124 = tpu.vector_load %arg5[%swap3A_123] {strides = array<i32>} : memref<2048xf32, #tpu.memory_space<vmem>>, vector<16xf32>,
    tpu.vector_store %arg5[%swap3A_123], %broadcast_in_dim3A_33 {strides = array<i32>} : memref<2048xf32, #tpu.memory_space<vmem>>, vector<16xf32>,
    %swap3A_125 = arith.constant 736 : index
    %swap3A_126 = tpu.vector_load %arg5[%swap3A_125] {strides = array<i32>} : memref<2048xf32, #tpu.memory_space<vmem>>, vector<16xf32>,
    tpu.vector_store %arg5[%swap3A_125], %broadcast_in_dim3A_33 {strides = array<i32>} : memref<2048xf32, #tpu.memory_space<vmem>>, vector<16xf32>,
    %swap3A_127 = arith.constant 752 : index
    %swap3A_128 = tpu.vector_load %arg5[%swap3A_127] {strides = array<i32>} : memref<2048xf32, #tpu.memory_space<vmem>>, vector<16xf32>,
    tpu.vector_store %arg5[%swap3A_127], %broadcast_in_dim3A_33 {strides = array<i32>} : memref<2048xf32, #tpu.memory_space<vmem>>, vector<16xf32>,
    %swap3A_129 = arith.constant 768 : index
    %swap3A_130 = tpu.vector_load %arg5[%swap3A_129] {strides = array<i32>} : memref<2048xf32, #tpu.memory_space<vmem>>, vector<16xf32>,
    tpu.vector_store %arg5[%swap3A_129], %broadcast_in_dim3A_33 {strides = array<i32>} : memref<2048xf32, #tpu.memory_space<vmem>>, vector<16xf32>,
    %swap3A_131 = arith.constant 784 : index
    %swap3A_132 = tpu.vector_load %arg5[%swap3A_131] {strides = array<i32>} : memref<2048xf32, #tpu.memory_space<vmem>>, vector<16xf32>,
    tpu.vector_store %arg5[%swap3A_131], %broadcast_in_dim3A_33 {strides = array<i32>} : memref<2048xf32, #tpu.memory_space<vmem>>, vector<16xf32>,
    %swap3A_133 = arith.constant 800 : index
    %swap3A_134 = tpu.vector_load %arg5[%swap3A_133] {strides = array<i32>} : memref<2048xf32, #tpu.memory_space<vmem>>, vector<16xf32>,
    tpu.vector_store %arg5[%swap3A_133], %broadcast_in_dim3A_33 {strides = array<i32>} : memref<2048xf32, #tpu.memory_space<vmem>>, vector<16xf32>,
    %swap3A_135 = arith.constant 816 : index
    %swap3A_136 = tpu.vector_load %arg5[%swap3A_135] {strides = array<i32>} : memref<2048xf32, #tpu.memory_space<vmem>>, vector<16xf32>,
    tpu.vector_store %arg5[%swap3A_135], %broadcast_in_dim3A_33 {strides = array<i32>} : memref<2048xf32, #tpu.memory_space<vmem>>, vector<16xf32>,
    %swap3A_137 = arith.constant 832 : index
    %swap3A_138 = tpu.vector_load %arg5[%swap3A_137] {strides = array<i32>} : memref<2048xf32, #tpu.memory_space<vmem>>, vector<16xf32>,
    tpu.vector_store %arg5[%swap3A_137], %broadcast_in_dim3A_33 {strides = array<i32>} : memref<2048xf32, #tpu.memory_space<vmem>>, vector<16xf32>,
    %swap3A_139 = arith.constant 848 : index
    %swap3A_140 = tpu.vector_load %arg5[%swap3A_139] {strides = array<i32>} : memref<2048xf32, #tpu.memory_space<vmem>>, vector<16xf32>,
    tpu.vector_store %arg5[%swap3A_139], %broadcast_in_dim3A_33 {strides = array<i32>} : memref<2048xf32, #tpu.memory_space<vmem>>, vector<16xf32>,
    %swap3A_141 = arith.constant 864 : index
    %swap3A_142 = tpu.vector_load %arg5[%swap3A_141] {strides = array<i32>} : memref<2048xf32, #tpu.memory_space<vmem>>, vector<16xf32>,
    tpu.vector_store %arg5[%swap3A_141], %broadcast_in_dim3A_33 {strides = array<i32>} : memref<2048xf32, #tpu.memory_space<vmem>>, vector<16xf32>,
    %swap3A_143 = arith.constant 880 : index
    %swap3A_144 = tpu.vector_load %arg5[%swap3A_143] {strides = array<i32>} : memref<2048xf32, #tpu.memory_space<vmem>>, vector<16xf32>,
    tpu.vector_store %arg5[%swap3A_143], %broadcast_in_dim3A_33 {strides = array<i32>} : memref<2048xf32, #tpu.memory_space<vmem>>, vector<16xf32>,
    %swap3A_145 = arith.constant 896 : index
    %swap3A_146 = tpu.vector_load %arg5[%swap3A_145] {strides = array<i32>} : memref<2048xf32, #tpu.memory_space<vmem>>, vector<16xf32>,
    tpu.vector_store %arg5[%swap3A_145], %broadcast_in_dim3A_33 {strides = array<i32>} : memref<2048xf32, #tpu.memory_space<vmem>>, vector<16xf32>,
    %swap3A_147 = arith.constant 912 : index
    %swap3A_148 = tpu.vector_load %arg5[%swap3A_147] {strides = array<i32>} : memref<2048xf32, #tpu.memory_space<vmem>>, vector<16xf32>,
    tpu.vector_store %arg5[%swap3A_147], %broadcast_in_dim3A_33 {strides = array<i32>} : memref<2048xf32, #tpu.memory_space<vmem>>, vector<16xf32>,
    %swap3A_149 = arith.constant 928 : index
    %swap3A_150 = tpu.vector_load %arg5[%swap3A_149] {strides = array<i32>} : memref<2048xf32, #tpu.memory_space<vmem>>, vector<16xf32>,
    tpu.vector_store %arg5[%swap3A_149], %broadcast_in_dim3A_33 {strides = array<i32>} : memref<2048xf32, #tpu.memory_space<vmem>>, vector<16xf32>,
    %swap3A_151 = arith.constant 944 : index
    %swap3A_152 = tpu.vector_load %arg5[%swap3A_151] {strides = array<i32>} : memref<2048xf32, #tpu.memory_space<vmem>>, vector<16xf32>,
    tpu.vector_store %arg5[%swap3A_151], %broadcast_in_dim3A_33 {strides = array<i32>} : memref<2048xf32, #tpu.memory_space<vmem>>, vector<16xf32>,
    %swap3A_153 = arith.constant 960 : index
    %swap3A_154 = tpu.vector_load %arg5[%swap3A_153] {strides = array<i32>} : memref<2048xf32, #tpu.memory_space<vmem>>, vector<16xf32>,
    tpu.vector_store %arg5[%swap3A_153], %broadcast_in_dim3A_33 {strides = array<i32>} : memref<2048xf32, #tpu.memory_space<vmem>>, vector<16xf32>,
    %swap3A_155 = arith.constant 976 : index
    %swap3A_156 = tpu.vector_load %arg5[%swap3A_155] {strides = array<i32>} : memref<2048xf32, #tpu.memory_space<vmem>>, vector<16xf32>,
    tpu.vector_store %arg5[%swap3A_155], %broadcast_in_dim3A_33 {strides = array<i32>} : memref<2048xf32, #tpu.memory_space<vmem>>, vector<16xf32>,
    %swap3A_157 = arith.constant 992 : index
    %swap3A_158 = tpu.vector_load %arg5[%swap3A_157] {strides = array<i32>} : memref<2048xf32, #tpu.memory_space<vmem>>, vector<16xf32>,
    tpu.vector_store %arg5[%swap3A_157], %broadcast_in_dim3A_33 {strides = array<i32>} : memref<2048xf32, #tpu.memory_space<vmem>>, vector<16xf32>,
    %swap3A_159 = arith.constant 1008 : index
    %swap3A_160 = tpu.vector_load %arg5[%swap3A_159] {strides = array<i32>} : memref<2048xf32, #tpu.memory_space<vmem>>, vector<16xf32>,
    tpu.vector_store %arg5[%swap3A_159], %broadcast_in_dim3A_33 {strides = array<i32>} : memref<2048xf32, #tpu.memory_space<vmem>>, vector<16xf32>,
    %swap3A_161 = arith.constant 1024 : index
    %swap3A_162 = tpu.vector_load %arg5[%swap3A_161] {strides = array<i32>} : memref<2048xf32, #tpu.memory_space<vmem>>, vector<16xf32>,
    tpu.vector_store %arg5[%swap3A_161], %broadcast_in_dim3A_33 {strides = array<i32>} : memref<2048xf32, #tpu.memory_space<vmem>>, vector<16xf32>,
    %swap3A_163 = arith.constant 1040 : index
    %swap3A_164 = tpu.vector_load %arg5[%swap3A_163] {strides = array<i32>} : memref<2048xf32, #tpu.memory_space<vmem>>, vector<16xf32>,
    tpu.vector_store %arg5[%swap3A_163], %broadcast_in_dim3A_33 {strides = array<i32>} : memref<2048xf32, #tpu.memory_space<vmem>>, vector<16xf32>,
    %swap3A_165 = arith.constant 1056 : index
    %swap3A_166 = tpu.vector_load %arg5[%swap3A_165] {strides = array<i32>} : memref<2048xf32, #tpu.memory_space<vmem>>, vector<16xf32>,
    tpu.vector_store %arg5[%swap3A_165], %broadcast_in_dim3A_33 {strides = array<i32>} : memref<2048xf32, #tpu.memory_space<vmem>>, vector<16xf32>,
    %swap3A_167 = arith.constant 1072 : index
    %swap3A_168 = tpu.vector_load %arg5[%swap3A_167] {strides = array<i32>} : memref<2048xf32, #tpu.memory_space<vmem>>, vector<16xf32>,
    tpu.vector_store %arg5[%swap3A_167], %broadcast_in_dim3A_33 {strides = array<i32>} : memref<2048xf32, #tpu.memory_space<vmem>>, vector<16xf32>,
    %swap3A_169 = arith.constant 1088 : index
    %swap3A_170 = tpu.vector_load %arg5[%swap3A_169] {strides = array<i32>} : memref<2048xf32, #tpu.memory_space<vmem>>, vector<16xf32>,
    tpu.vector_store %arg5[%swap3A_169], %broadcast_in_dim3A_33 {strides = array<i32>} : memref<2048xf32, #tpu.memory_space<vmem>>, vector<16xf32>,
    %swap3A_171 = arith.constant 1104 : index
    %swap3A_172 = tpu.vector_load %arg5[%swap3A_171] {strides = array<i32>} : memref<2048xf32, #tpu.memory_space<vmem>>, vector<16xf32>,
    tpu.vector_store %arg5[%swap3A_171], %broadcast_in_dim3A_33 {strides = array<i32>} : memref<2048xf32, #tpu.memory_space<vmem>>, vector<16xf32>,
    %swap3A_173 = arith.constant 1120 : index
    %swap3A_174 = tpu.vector_load %arg5[%swap3A_173] {strides = array<i32>} : memref<2048xf32, #tpu.memory_space<vmem>>, vector<16xf32>,
    tpu.vector_store %arg5[%swap3A_173], %broadcast_in_dim3A_33 {strides = array<i32>} : memref<2048xf32, #tpu.memory_space<vmem>>, vector<16xf32>,
    %swap3A_175 = arith.constant 1136 : index
    %swap3A_176 = tpu.vector_load %arg5[%swap3A_175] {strides = array<i32>} : memref<2048xf32, #tpu.memory_space<vmem>>, vector<16xf32>,
    tpu.vector_store %arg5[%swap3A_175], %broadcast_in_dim3A_33 {strides = array<i32>} : memref<2048xf32, #tpu.memory_space<vmem>>, vector<16xf32>,
    %swap3A_177 = arith.constant 1152 : index
    %swap3A_178 = tpu.vector_load %arg5[%swap3A_177] {strides = array<i32>} : memref<2048xf32, #tpu.memory_space<vmem>>, vector<16xf32>,
    tpu.vector_store %arg5[%swap3A_177], %broadcast_in_dim3A_33 {strides = array<i32>} : memref<2048xf32, #tpu.memory_space<vmem>>, vector<16xf32>,
    %swap3A_179 = arith.constant 1168 : index
    %swap3A_180 = tpu.vector_load %arg5[%swap3A_179] {strides = array<i32>} : memref<2048xf32, #tpu.memory_space<vmem>>, vector<16xf32>,
    tpu.vector_store %arg5[%swap3A_179], %broadcast_in_dim3A_33 {strides = array<i32>} : memref<2048xf32, #tpu.memory_space<vmem>>, vector<16xf32>,
    %swap3A_181 = arith.constant 1184 : index
    %swap3A_182 = tpu.vector_load %arg5[%swap3A_181] {strides = array<i32>} : memref<2048xf32, #tpu.memory_space<vmem>>, vector<16xf32>,
    tpu.vector_store %arg5[%swap3A_181], %broadcast_in_dim3A_33 {strides = array<i32>} : memref<2048xf32, #tpu.memory_space<vmem>>, vector<16xf32>,
    %swap3A_183 = arith.constant 1200 : index
    %swap3A_184 = tpu.vector_load %arg5[%swap3A_183] {strides = array<i32>} : memref<2048xf32, #tpu.memory_space<vmem>>, vector<16xf32>,
    tpu.vector_store %arg5[%swap3A_183], %broadcast_in_dim3A_33 {strides = array<i32>} : memref<2048xf32, #tpu.memory_space<vmem>>, vector<16xf32>,
    %swap3A_185 = arith.constant 1216 : index
    %swap3A_186 = tpu.vector_load %arg5[%swap3A_185] {strides = array<i32>} : memref<2048xf32, #tpu.memory_space<vmem>>, vector<16xf32>,
    tpu.vector_store %arg5[%swap3A_185], %broadcast_in_dim3A_33 {strides = array<i32>} : memref<2048xf32, #tpu.memory_space<vmem>>, vector<16xf32>,
    %swap3A_187 = arith.constant 1232 : index
    %swap3A_188 = tpu.vector_load %arg5[%swap3A_187] {strides = array<i32>} : memref<2048xf32, #tpu.memory_space<vmem>>, vector<16xf32>,
    tpu.vector_store %arg5[%swap3A_187], %broadcast_in_dim3A_33 {strides = array<i32>} : memref<2048xf32, #tpu.memory_space<vmem>>, vector<16xf32>,
    %swap3A_189 = arith.constant 1248 : index
    %swap3A_190 = tpu.vector_load %arg5[%swap3A_189] {strides = array<i32>} : memref<2048xf32, #tpu.memory_space<vmem>>, vector<16xf32>,
    tpu.vector_store %arg5[%swap3A_189], %broadcast_in_dim3A_33 {strides = array<i32>} : memref<2048xf32, #tpu.memory_space<vmem>>, vector<16xf32>,
    %swap3A_191 = arith.constant 1264 : index
    %swap3A_192 = tpu.vector_load %arg5[%swap3A_191] {strides = array<i32>} : memref<2048xf32, #tpu.memory_space<vmem>>, vector<16xf32>,
    tpu.vector_store %arg5[%swap3A_191], %broadcast_in_dim3A_33 {strides = array<i32>} : memref<2048xf32, #tpu.memory_space<vmem>>, vector<16xf32>,
    %swap3A_193 = arith.constant 1280 : index
    %swap3A_194 = tpu.vector_load %arg5[%swap3A_193] {strides = array<i32>} : memref<2048xf32, #tpu.memory_space<vmem>>, vector<16xf32>,
    tpu.vector_store %arg5[%swap3A_193], %broadcast_in_dim3A_33 {strides = array<i32>} : memref<2048xf32, #tpu.memory_space<vmem>>, vector<16xf32>,
    %swap3A_195 = arith.constant 1296 : index
    %swap3A_196 = tpu.vector_load %arg5[%swap3A_195] {strides = array<i32>} : memref<2048xf32, #tpu.memory_space<vmem>>, vector<16xf32>,
    tpu.vector_store %arg5[%swap3A_195], %broadcast_in_dim3A_33 {strides = array<i32>} : memref<2048xf32, #tpu.memory_space<vmem>>, vector<16xf32>,
    %swap3A_197 = arith.constant 1312 : index
    %swap3A_198 = tpu.vector_load %arg5[%swap3A_197] {strides = array<i32>} : memref<2048xf32, #tpu.memory_space<vmem>>, vector<16xf32>,
    tpu.vector_store %arg5[%swap3A_197], %broadcast_in_dim3A_33 {strides = array<i32>} : memref<2048xf32, #tpu.memory_space<vmem>>, vector<16xf32>,
    %swap3A_199 = arith.constant 1328 : index
    %swap3A_200 = tpu.vector_load %arg5[%swap3A_199] {strides = array<i32>} : memref<2048xf32, #tpu.memory_space<vmem>>, vector<16xf32>,
    tpu.vector_store %arg5[%swap3A_199], %broadcast_in_dim3A_33 {strides = array<i32>} : memref<2048xf32, #tpu.memory_space<vmem>>, vector<16xf32>,
    %swap3A_201 = arith.constant 1344 : index
    %swap3A_202 = tpu.vector_load %arg5[%swap3A_201] {strides = array<i32>} : memref<2048xf32, #tpu.memory_space<vmem>>, vector<16xf32>,
    tpu.vector_store %arg5[%swap3A_201], %broadcast_in_dim3A_33 {strides = array<i32>} : memref<2048xf32, #tpu.memory_space<vmem>>, vector<16xf32>,
    %swap3A_203 = arith.constant 1360 : index
    %swap3A_204 = tpu.vector_load %arg5[%swap3A_203] {strides = array<i32>} : memref<2048xf32, #tpu.memory_space<vmem>>, vector<16xf32>,
    tpu.vector_store %arg5[%swap3A_203], %broadcast_in_dim3A_33 {strides = array<i32>} : memref<2048xf32, #tpu.memory_space<vmem>>, vector<16xf32>,
    %swap3A_205 = arith.constant 1376 : index
    %swap3A_206 = tpu.vector_load %arg5[%swap3A_205] {strides = array<i32>} : memref<2048xf32, #tpu.memory_space<vmem>>, vector<16xf32>,
    tpu.vector_store %arg5[%swap3A_205], %broadcast_in_dim3A_33 {strides = array<i32>} : memref<2048xf32, #tpu.memory_space<vmem>>, vector<16xf32>,
    %swap3A_207 = arith.constant 1392 : index
    %swap3A_208 = tpu.vector_load %arg5[%swap3A_207] {strides = array<i32>} : memref<2048xf32, #tpu.memory_space<vmem>>, vector<16xf32>,
    tpu.vector_store %arg5[%swap3A_207], %broadcast_in_dim3A_33 {strides = array<i32>} : memref<2048xf32, #tpu.memory_space<vmem>>, vector<16xf32>,
    %swap3A_209 = arith.constant 1408 : index
    %swap3A_210 = tpu.vector_load %arg5[%swap3A_209] {strides = array<i32>} : memref<2048xf32, #tpu.memory_space<vmem>>, vector<16xf32>,
    tpu.vector_store %arg5[%swap3A_209], %broadcast_in_dim3A_33 {strides = array<i32>} : memref<2048xf32, #tpu.memory_space<vmem>>, vector<16xf32>,
    %swap3A_211 = arith.constant 1424 : index
    %swap3A_212 = tpu.vector_load %arg5[%swap3A_211] {strides = array<i32>} : memref<2048xf32, #tpu.memory_space<vmem>>, vector<16xf32>,
    tpu.vector_store %arg5[%swap3A_211], %broadcast_in_dim3A_33 {strides = array<i32>} : memref<2048xf32, #tpu.memory_space<vmem>>, vector<16xf32>,
    %swap3A_213 = arith.constant 1440 : index
    %swap3A_214 = tpu.vector_load %arg5[%swap3A_213] {strides = array<i32>} : memref<2048xf32, #tpu.memory_space<vmem>>, vector<16xf32>,
    tpu.vector_store %arg5[%swap3A_213], %broadcast_in_dim3A_33 {strides = array<i32>} : memref<2048xf32, #tpu.memory_space<vmem>>, vector<16xf32>,
    %swap3A_215 = arith.constant 1456 : index
    %swap3A_216 = tpu.vector_load %arg5[%swap3A_215] {strides = array<i32>} : memref<2048xf32, #tpu.memory_space<vmem>>, vector<16xf32>,
    tpu.vector_store %arg5[%swap3A_215], %broadcast_in_dim3A_33 {strides = array<i32>} : memref<2048xf32, #tpu.memory_space<vmem>>, vector<16xf32>,
    %swap3A_217 = arith.constant 1472 : index
    %swap3A_218 = tpu.vector_load %arg5[%swap3A_217] {strides = array<i32>} : memref<2048xf32, #tpu.memory_space<vmem>>, vector<16xf32>,
    tpu.vector_store %arg5[%swap3A_217], %broadcast_in_dim3A_33 {strides = array<i32>} : memref<2048xf32, #tpu.memory_space<vmem>>, vector<16xf32>,
    %swap3A_219 = arith.constant 1488 : index
    %swap3A_220 = tpu.vector_load %arg5[%swap3A_219] {strides = array<i32>} : memref<2048xf32, #tpu.memory_space<vmem>>, vector<16xf32>,
    tpu.vector_store %arg5[%swap3A_219], %broadcast_in_dim3A_33 {strides = array<i32>} : memref<2048xf32, #tpu.memory_space<vmem>>, vector<16xf32>,
    %swap3A_221 = arith.constant 1504 : index
    %swap3A_222 = tpu.vector_load %arg5[%swap3A_221] {strides = array<i32>} : memref<2048xf32, #tpu.memory_space<vmem>>, vector<16xf32>,
    tpu.vector_store %arg5[%swap3A_221], %broadcast_in_dim3A_33 {strides = array<i32>} : memref<2048xf32, #tpu.memory_space<vmem>>, vector<16xf32>,
    %swap3A_223 = arith.constant 1520 : index
    %swap3A_224 = tpu.vector_load %arg5[%swap3A_223] {strides = array<i32>} : memref<2048xf32, #tpu.memory_space<vmem>>, vector<16xf32>,
    tpu.vector_store %arg5[%swap3A_223], %broadcast_in_dim3A_33 {strides = array<i32>} : memref<2048xf32, #tpu.memory_space<vmem>>, vector<16xf32>,
    %swap3A_225 = arith.constant 1536 : index
    %swap3A_226 = tpu.vector_load %arg5[%swap3A_225] {strides = array<i32>} : memref<2048xf32, #tpu.memory_space<vmem>>, vector<16xf32>,
    tpu.vector_store %arg5[%swap3A_225], %broadcast_in_dim3A_33 {strides = array<i32>} : memref<2048xf32, #tpu.memory_space<vmem>>, vector<16xf32>,
    %swap3A_227 = arith.constant 1552 : index
    %swap3A_228 = tpu.vector_load %arg5[%swap3A_227] {strides = array<i32>} : memref<2048xf32, #tpu.memory_space<vmem>>, vector<16xf32>,
    tpu.vector_store %arg5[%swap3A_227], %broadcast_in_dim3A_33 {strides = array<i32>} : memref<2048xf32, #tpu.memory_space<vmem>>, vector<16xf32>,
    %swap3A_229 = arith.constant 1568 : index
    %swap3A_230 = tpu.vector_load %arg5[%swap3A_229] {strides = array<i32>} : memref<2048xf32, #tpu.memory_space<vmem>>, vector<16xf32>,
    tpu.vector_store %arg5[%swap3A_229], %broadcast_in_dim3A_33 {strides = array<i32>} : memref<2048xf32, #tpu.memory_space<vmem>>, vector<16xf32>,
    %swap3A_231 = arith.constant 1584 : index
    %swap3A_232 = tpu.vector_load %arg5[%swap3A_231] {strides = array<i32>} : memref<2048xf32, #tpu.memory_space<vmem>>, vector<16xf32>,
    tpu.vector_store %arg5[%swap3A_231], %broadcast_in_dim3A_33 {strides = array<i32>} : memref<2048xf32, #tpu.memory_space<vmem>>, vector<16xf32>,
    %swap3A_233 = arith.constant 1600 : index
    %swap3A_234 = tpu.vector_load %arg5[%swap3A_233] {strides = array<i32>} : memref<2048xf32, #tpu.memory_space<vmem>>, vector<16xf32>,
    tpu.vector_store %arg5[%swap3A_233], %broadcast_in_dim3A_33 {strides = array<i32>} : memref<2048xf32, #tpu.memory_space<vmem>>, vector<16xf32>,
    %swap3A_235 = arith.constant 1616 : index
    %swap3A_236 = tpu.vector_load %arg5[%swap3A_235] {strides = array<i32>} : memref<2048xf32, #tpu.memory_space<vmem>>, vector<16xf32>,
    tpu.vector_store %arg5[%swap3A_235], %broadcast_in_dim3A_33 {strides = array<i32>} : memref<2048xf32, #tpu.memory_space<vmem>>, vector<16xf32>,
    %swap3A_237 = arith.constant 1632 : index
    %swap3A_238 = tpu.vector_load %arg5[%swap3A_237] {strides = array<i32>} : memref<2048xf32, #tpu.memory_space<vmem>>, vector<16xf32>,
    tpu.vector_store %arg5[%swap3A_237], %broadcast_in_dim3A_33 {strides = array<i32>} : memref<2048xf32, #tpu.memory_space<vmem>>, vector<16xf32>,
    %swap3A_239 = arith.constant 1648 : index
    %swap3A_240 = tpu.vector_load %arg5[%swap3A_239] {strides = array<i32>} : memref<2048xf32, #tpu.memory_space<vmem>>, vector<16xf32>,
    tpu.vector_store %arg5[%swap3A_239], %broadcast_in_dim3A_33 {strides = array<i32>} : memref<2048xf32, #tpu.memory_space<vmem>>, vector<16xf32>,
    %swap3A_241 = arith.constant 1664 : index
    %swap3A_242 = tpu.vector_load %arg5[%swap3A_241] {strides = array<i32>} : memref<2048xf32, #tpu.memory_space<vmem>>, vector<16xf32>,
    tpu.vector_store %arg5[%swap3A_241], %broadcast_in_dim3A_33 {strides = array<i32>} : memref<2048xf32, #tpu.memory_space<vmem>>, vector<16xf32>,
    %swap3A_243 = arith.constant 1680 : index
    %swap3A_244 = tpu.vector_load %arg5[%swap3A_243] {strides = array<i32>} : memref<2048xf32, #tpu.memory_space<vmem>>, vector<16xf32>,
    tpu.vector_store %arg5[%swap3A_243], %broadcast_in_dim3A_33 {strides = array<i32>} : memref<2048xf32, #tpu.memory_space<vmem>>, vector<16xf32>,
    %swap3A_245 = arith.constant 1696 : index
    %swap3A_246 = tpu.vector_load %arg5[%swap3A_245] {strides = array<i32>} : memref<2048xf32, #tpu.memory_space<vmem>>, vector<16xf32>,
    tpu.vector_store %arg5[%swap3A_245], %broadcast_in_dim3A_33 {strides = array<i32>} : memref<2048xf32, #tpu.memory_space<vmem>>, vector<16xf32>,
    %swap3A_247 = arith.constant 1712 : index
    %swap3A_248 = tpu.vector_load %arg5[%swap3A_247] {strides = array<i32>} : memref<2048xf32, #tpu.memory_space<vmem>>, vector<16xf32>,
    tpu.vector_store %arg5[%swap3A_247], %broadcast_in_dim3A_33 {strides = array<i32>} : memref<2048xf32, #tpu.memory_space<vmem>>, vector<16xf32>,
    %swap3A_249 = arith.constant 1728 : index
    %swap3A_250 = tpu.vector_load %arg5[%swap3A_249] {strides = array<i32>} : memref<2048xf32, #tpu.memory_space<vmem>>, vector<16xf32>,
    tpu.vector_store %arg5[%swap3A_249], %broadcast_in_dim3A_33 {strides = array<i32>} : memref<2048xf32, #tpu.memory_space<vmem>>, vector<16xf32>,
    %swap3A_251 = arith.constant 1744 : index
    %swap3A_252 = tpu.vector_load %arg5[%swap3A_251] {strides = array<i32>} : memref<2048xf32, #tpu.memory_space<vmem>>, vector<16xf32>,
    tpu.vector_store %arg5[%swap3A_251], %broadcast_in_dim3A_33 {strides = array<i32>} : memref<2048xf32, #tpu.memory_space<vmem>>, vector<16xf32>,
    %swap3A_253 = arith.constant 1760 : index
    %swap3A_254 = tpu.vector_load %arg5[%swap3A_253] {strides = array<i32>} : memref<2048xf32, #tpu.memory_space<vmem>>, vector<16xf32>,
    tpu.vector_store %arg5[%swap3A_253], %broadcast_in_dim3A_33 {strides = array<i32>} : memref<2048xf32, #tpu.memory_space<vmem>>, vector<16xf32>,
    %swap3A_255 = arith.constant 1776 : index
    %swap3A_256 = tpu.vector_load %arg5[%swap3A_255] {strides = array<i32>} : memref<2048xf32, #tpu.memory_space<vmem>>, vector<16xf32>,
    tpu.vector_store %arg5[%swap3A_255], %broadcast_in_dim3A_33 {strides = array<i32>} : memref<2048xf32, #tpu.memory_space<vmem>>, vector<16xf32>,
    %swap3A_257 = arith.constant 1792 : index
    %swap3A_258 = tpu.vector_load %arg5[%swap3A_257] {strides = array<i32>} : memref<2048xf32, #tpu.memory_space<vmem>>, vector<16xf32>,
    tpu.vector_store %arg5[%swap3A_257], %broadcast_in_dim3A_33 {strides = array<i32>} : memref<2048xf32, #tpu.memory_space<vmem>>, vector<16xf32>,
    %swap3A_259 = arith.constant 1808 : index
    %swap3A_260 = tpu.vector_load %arg5[%swap3A_259] {strides = array<i32>} : memref<2048xf32, #tpu.memory_space<vmem>>, vector<16xf32>,
    tpu.vector_store %arg5[%swap3A_259], %broadcast_in_dim3A_33 {strides = array<i32>} : memref<2048xf32, #tpu.memory_space<vmem>>, vector<16xf32>,
    %swap3A_261 = arith.constant 1824 : index
    %swap3A_262 = tpu.vector_load %arg5[%swap3A_261] {strides = array<i32>} : memref<2048xf32, #tpu.memory_space<vmem>>, vector<16xf32>,
    tpu.vector_store %arg5[%swap3A_261], %broadcast_in_dim3A_33 {strides = array<i32>} : memref<2048xf32, #tpu.memory_space<vmem>>, vector<16xf32>,
    %swap3A_263 = arith.constant 1840 : index
    %swap3A_264 = tpu.vector_load %arg5[%swap3A_263] {strides = array<i32>} : memref<2048xf32, #tpu.memory_space<vmem>>, vector<16xf32>,
    tpu.vector_store %arg5[%swap3A_263], %broadcast_in_dim3A_33 {strides = array<i32>} : memref<2048xf32, #tpu.memory_space<vmem>>, vector<16xf32>,
    %swap3A_265 = arith.constant 1856 : index
    %swap3A_266 = tpu.vector_load %arg5[%swap3A_265] {strides = array<i32>} : memref<2048xf32, #tpu.memory_space<vmem>>, vector<16xf32>,
    tpu.vector_store %arg5[%swap3A_265], %broadcast_in_dim3A_33 {strides = array<i32>} : memref<2048xf32, #tpu.memory_space<vmem>>, vector<16xf32>,
    %swap3A_267 = arith.constant 1872 : index
    %swap3A_268 = tpu.vector_load %arg5[%swap3A_267] {strides = array<i32>} : memref<2048xf32, #tpu.memory_space<vmem>>, vector<16xf32>,
    tpu.vector_store %arg5[%swap3A_267], %broadcast_in_dim3A_33 {strides = array<i32>} : memref<2048xf32, #tpu.memory_space<vmem>>, vector<16xf32>,
    %swap3A_269 = arith.constant 1888 : index
    %swap3A_270 = tpu.vector_load %arg5[%swap3A_269] {strides = array<i32>} : memref<2048xf32, #tpu.memory_space<vmem>>, vector<16xf32>,
    tpu.vector_store %arg5[%swap3A_269], %broadcast_in_dim3A_33 {strides = array<i32>} : memref<2048xf32, #tpu.memory_space<vmem>>, vector<16xf32>,
    %swap3A_271 = arith.constant 1904 : index
    %swap3A_272 = tpu.vector_load %arg5[%swap3A_271] {strides = array<i32>} : memref<2048xf32, #tpu.memory_space<vmem>>, vector<16xf32>,
    tpu.vector_store %arg5[%swap3A_271], %broadcast_in_dim3A_33 {strides = array<i32>} : memref<2048xf32, #tpu.memory_space<vmem>>, vector<16xf32>,
    %swap3A_273 = arith.constant 1920 : index
    %swap3A_274 = tpu.vector_load %arg5[%swap3A_273] {strides = array<i32>} : memref<2048xf32, #tpu.memory_space<vmem>>, vector<16xf32>,
    tpu.vector_store %arg5[%swap3A_273], %broadcast_in_dim3A_33 {strides = array<i32>} : memref<2048xf32, #tpu.memory_space<vmem>>, vector<16xf32>,
    %swap3A_275 = arith.constant 1936 : index
    %swap3A_276 = tpu.vector_load %arg5[%swap3A_275] {strides = array<i32>} : memref<2048xf32, #tpu.memory_space<vmem>>, vector<16xf32>,
    tpu.vector_store %arg5[%swap3A_275], %broadcast_in_dim3A_33 {strides = array<i32>} : memref<2048xf32, #tpu.memory_space<vmem>>, vector<16xf32>,
    %swap3A_277 = arith.constant 1952 : index
    %swap3A_278 = tpu.vector_load %arg5[%swap3A_277] {strides = array<i32>} : memref<2048xf32, #tpu.memory_space<vmem>>, vector<16xf32>,
    tpu.vector_store %arg5[%swap3A_277], %broadcast_in_dim3A_33 {strides = array<i32>} : memref<2048xf32, #tpu.memory_space<vmem>>, vector<16xf32>,
    %swap3A_279 = arith.constant 1968 : index
    %swap3A_280 = tpu.vector_load %arg5[%swap3A_279] {strides = array<i32>} : memref<2048xf32, #tpu.memory_space<vmem>>, vector<16xf32>,
    tpu.vector_store %arg5[%swap3A_279], %broadcast_in_dim3A_33 {strides = array<i32>} : memref<2048xf32, #tpu.memory_space<vmem>>, vector<16xf32>,
    %swap3A_281 = arith.constant 1984 : index
    %swap3A_282 = tpu.vector_load %arg5[%swap3A_281] {strides = array<i32>} : memref<2048xf32, #tpu.memory_space<vmem>>, vector<16xf32>,
    tpu.vector_store %arg5[%swap3A_281], %broadcast_in_dim3A_33 {strides = array<i32>} : memref<2048xf32, #tpu.memory_space<vmem>>, vector<16xf32>,
    %swap3A_283 = arith.constant 2000 : index
    %swap3A_284 = tpu.vector_load %arg5[%swap3A_283] {strides = array<i32>} : memref<2048xf32, #tpu.memory_space<vmem>>, vector<16xf32>,
    tpu.vector_store %arg5[%swap3A_283], %broadcast_in_dim3A_33 {strides = array<i32>} : memref<2048xf32, #tpu.memory_space<vmem>>, vector<16xf32>,
    %swap3A_285 = arith.constant 2016 : index
    %swap3A_286 = tpu.vector_load %arg5[%swap3A_285] {strides = array<i32>} : memref<2048xf32, #tpu.memory_space<vmem>>, vector<16xf32>,
    tpu.vector_store %arg5[%swap3A_285], %broadcast_in_dim3A_33 {strides = array<i32>} : memref<2048xf32, #tpu.memory_space<vmem>>, vector<16xf32>,
    %swap3A_287 = arith.constant 2032 : index
    %swap3A_288 = tpu.vector_load %arg5[%swap3A_287] {strides = array<i32>} : memref<2048xf32, #tpu.memory_space<vmem>>, vector<16xf32>,
    tpu.vector_store %arg5[%swap3A_287], %broadcast_in_dim3A_33 {strides = array<i32>} : memref<2048xf32, #tpu.memory_space<vmem>>, vector<16xf32>,
    %iota3A = tpu.iota {dimensions = array<i32: 0>} : vector<16xi32>
    %broadcast_in_dim3A_289 = arith.constant 1.000000e+00 : f32
    %broadcast_in_dim3A_290 = vector.broadcast %broadcast_in_dim3A_289 : f32 to vector<16xf32>
    %scan3A = arith.constant 0 : i32
    %scan3A_291 = arith.constant 0 : i32
    %scan3A_292 = arith.constant 128 : i32
    %scan3A_293 = arith.addi %scan3A_291, %scan3A_292 : i32
    %scan3A_294 = arith.constant 1 : i32
    scf.for %scan3A_959 = %scan3A_291 to %scan3A_293 step %scan3A_294  : i32 {
      %get3A = arith.index_cast %scan3A_959 : i32 to index
      %get3A_960 = arith.constant 0 : index
      %get3A_961 = tpu.vector_load %arg4[%get3A, %get3A_960] {strides = array<i32>} : memref<128x512xi32, #tpu.memory_space<vmem>>, vector<16xi32>,
      %mul3A_962 = arith.constant 16 : i32
      %mul3A_963 = vector.broadcast %mul3A_962 : i32 to vector<16xi32>
      %mul3A_964 = arith.muli %get3A_961, %mul3A_963 : vector<16xi32>
      %add3A_965 = arith.constant 0 : i32
      %add3A_966 = vector.broadcast %add3A_965 : i32 to vector<16xi32>
      %add3A_967 = arith.addi %add3A_966, %iota3A : vector<16xi32>
      %add3A_968 = arith.addi %mul3A_964, %add3A_967 : vector<16xi32>
      tpu.vector_store_idx %arg5[%add3A_968], %broadcast_in_dim3A_290 {add = true} : memref<2048xf32, #tpu.memory_space<vmem>>[vector<16xi32>], vector<16xf32>,
      %get3A_969 = arith.index_cast %scan3A_959 : i32 to index
      %get3A_970 = arith.constant 16 : index
      %get3A_971 = tpu.vector_load %arg4[%get3A_969, %get3A_970] {strides = array<i32>} : memref<128x512xi32, #tpu.memory_space<vmem>>, vector<16xi32>,
      %mul3A_972 = arith.constant 16 : i32
      %mul3A_973 = vector.broadcast %mul3A_972 : i32 to vector<16xi32>
      %mul3A_974 = arith.muli %get3A_971, %mul3A_973 : vector<16xi32>
      %add3A_975 = arith.constant 512 : i32
      %add3A_976 = vector.broadcast %add3A_975 : i32 to vector<16xi32>
      %add3A_977 = arith.addi %add3A_976, %iota3A : vector<16xi32>
      %add3A_978 = arith.addi %mul3A_974, %add3A_977 : vector<16xi32>
      tpu.vector_store_idx %arg5[%add3A_978], %broadcast_in_dim3A_290 {add = true} : memref<2048xf32, #tpu.memory_space<vmem>>[vector<16xi32>], vector<16xf32>,
      %get3A_979 = arith.index_cast %scan3A_959 : i32 to index
      %get3A_980 = arith.constant 32 : index
      %get3A_981 = tpu.vector_load %arg4[%get3A_979, %get3A_980] {strides = array<i32>} : memref<128x512xi32, #tpu.memory_space<vmem>>, vector<16xi32>,
      %mul3A_982 = arith.constant 16 : i32
      %mul3A_983 = vector.broadcast %mul3A_982 : i32 to vector<16xi32>
      %mul3A_984 = arith.muli %get3A_981, %mul3A_983 : vector<16xi32>
      %add3A_985 = arith.constant 1024 : i32
      %add3A_986 = vector.broadcast %add3A_985 : i32 to vector<16xi32>
      %add3A_987 = arith.addi %add3A_986, %iota3A : vector<16xi32>
      %add3A_988 = arith.addi %mul3A_984, %add3A_987 : vector<16xi32>
      tpu.vector_store_idx %arg5[%add3A_988], %broadcast_in_dim3A_290 {add = true} : memref<2048xf32, #tpu.memory_space<vmem>>[vector<16xi32>], vector<16xf32>,
      %get3A_989 = arith.index_cast %scan3A_959 : i32 to index
      %get3A_990 = arith.constant 48 : index
      %get3A_991 = tpu.vector_load %arg4[%get3A_989, %get3A_990] {strides = array<i32>} : memref<128x512xi32, #tpu.memory_space<vmem>>, vector<16xi32>,
      %mul3A_992 = arith.constant 16 : i32
      %mul3A_993 = vector.broadcast %mul3A_992 : i32 to vector<16xi32>
      %mul3A_994 = arith.muli %get3A_991, %mul3A_993 : vector<16xi32>
      %add3A_995 = arith.constant 1536 : i32
      %add3A_996 = vector.broadcast %add3A_995 : i32 to vector<16xi32>
      %add3A_997 = arith.addi %add3A_996, %iota3A : vector<16xi32>
      %add3A_998 = arith.addi %mul3A_994, %add3A_997 : vector<16xi32>
      tpu.vector_store_idx %arg5[%add3A_998], %broadcast_in_dim3A_290 {add = true} : memref<2048xf32, #tpu.memory_space<vmem>>[vector<16xi32>], vector<16xf32>,
      %get3A_999 = arith.index_cast %scan3A_959 : i32 to index
      %get3A_1000 = arith.constant 64 : index
      %get3A_1001 = tpu.vector_load %arg4[%get3A_999, %get3A_1000] {strides = array<i32>} : memref<128x512xi32, #tpu.memory_space<vmem>>, vector<16xi32>,
      %mul3A_1002 = arith.constant 16 : i32
      %mul3A_1003 = vector.broadcast %mul3A_1002 : i32 to vector<16xi32>
      %mul3A_1004 = arith.muli %get3A_1001, %mul3A_1003 : vector<16xi32>
      %add3A_1005 = arith.constant 0 : i32
      %add3A_1006 = vector.broadcast %add3A_1005 : i32 to vector<16xi32>
      %add3A_1007 = arith.addi %add3A_1006, %iota3A : vector<16xi32>
      %add3A_1008 = arith.addi %mul3A_1004, %add3A_1007 : vector<16xi32>
      tpu.vector_store_idx %arg5[%add3A_1008], %broadcast_in_dim3A_290 {add = true} : memref<2048xf32, #tpu.memory_space<vmem>>[vector<16xi32>], vector<16xf32>,
      %get3A_1009 = arith.index_cast %scan3A_959 : i32 to index
      %get3A_1010 = arith.constant 80 : index
      %get3A_1011 = tpu.vector_load %arg4[%get3A_1009, %get3A_1010] {strides = array<i32>} : memref<128x512xi32, #tpu.memory_space<vmem>>, vector<16xi32>,
      %mul3A_1012 = arith.constant 16 : i32
      %mul3A_1013 = vector.broadcast %mul3A_1012 : i32 to vector<16xi32>
      %mul3A_1014 = arith.muli %get3A_1011, %mul3A_1013 : vector<16xi32>
      %add3A_1015 = arith.constant 512 : i32
      %add3A_1016 = vector.broadcast %add3A_1015 : i32 to vector<16xi32>
      %add3A_1017 = arith.addi %add3A_1016, %iota3A : vector<16xi32>
      %add3A_1018 = arith.addi %mul3A_1014, %add3A_1017 : vector<16xi32>
      tpu.vector_store_idx %arg5[%add3A_1018], %broadcast_in_dim3A_290 {add = true} : memref<2048xf32, #tpu.memory_space<vmem>>[vector<16xi32>], vector<16xf32>,
      %get3A_1019 = arith.index_cast %scan3A_959 : i32 to index
      %get3A_1020 = arith.constant 96 : index
      %get3A_1021 = tpu.vector_load %arg4[%get3A_1019, %get3A_1020] {strides = array<i32>} : memref<128x512xi32, #tpu.memory_space<vmem>>, vector<16xi32>,
      %mul3A_1022 = arith.constant 16 : i32
      %mul3A_1023 = vector.broadcast %mul3A_1022 : i32 to vector<16xi32>
      %mul3A_1024 = arith.muli %get3A_1021, %mul3A_1023 : vector<16xi32>
      %add3A_1025 = arith.constant 1024 : i32
      %add3A_1026 = vector.broadcast %add3A_1025 : i32 to vector<16xi32>
      %add3A_1027 = arith.addi %add3A_1026, %iota3A : vector<16xi32>
      %add3A_1028 = arith.addi %mul3A_1024, %add3A_1027 : vector<16xi32>
      tpu.vector_store_idx %arg5[%add3A_1028], %broadcast_in_dim3A_290 {add = true} : memref<2048xf32, #tpu.memory_space<vmem>>[vector<16xi32>], vector<16xf32>,
      %get3A_1029 = arith.index_cast %scan3A_959 : i32 to index
      %get3A_1030 = arith.constant 112 : index
      %get3A_1031 = tpu.vector_load %arg4[%get3A_1029, %get3A_1030] {strides = array<i32>} : memref<128x512xi32, #tpu.memory_space<vmem>>, vector<16xi32>,
      %mul3A_1032 = arith.constant 16 : i32
      %mul3A_1033 = vector.broadcast %mul3A_1032 : i32 to vector<16xi32>
      %mul3A_1034 = arith.muli %get3A_1031, %mul3A_1033 : vector<16xi32>
      %add3A_1035 = arith.constant 1536 : i32
      %add3A_1036 = vector.broadcast %add3A_1035 : i32 to vector<16xi32>
      %add3A_1037 = arith.addi %add3A_1036, %iota3A : vector<16xi32>
      %add3A_1038 = arith.addi %mul3A_1034, %add3A_1037 : vector<16xi32>
      tpu.vector_store_idx %arg5[%add3A_1038], %broadcast_in_dim3A_290 {add = true} : memref<2048xf32, #tpu.memory_space<vmem>>[vector<16xi32>], vector<16xf32>,
      %get3A_1039 = arith.index_cast %scan3A_959 : i32 to index
      %get3A_1040 = arith.constant 128 : index
      %get3A_1041 = tpu.vector_load %arg4[%get3A_1039, %get3A_1040] {strides = array<i32>} : memref<128x512xi32, #tpu.memory_space<vmem>>, vector<16xi32>,
      %mul3A_1042 = arith.constant 16 : i32
      %mul3A_1043 = vector.broadcast %mul3A_1042 : i32 to vector<16xi32>
      %mul3A_1044 = arith.muli %get3A_1041, %mul3A_1043 : vector<16xi32>
      %add3A_1045 = arith.constant 0 : i32
      %add3A_1046 = vector.broadcast %add3A_1045 : i32 to vector<16xi32>
      %add3A_1047 = arith.addi %add3A_1046, %iota3A : vector<16xi32>
      %add3A_1048 = arith.addi %mul3A_1044, %add3A_1047 : vector<16xi32>
      tpu.vector_store_idx %arg5[%add3A_1048], %broadcast_in_dim3A_290 {add = true} : memref<2048xf32, #tpu.memory_space<vmem>>[vector<16xi32>], vector<16xf32>,
      %get3A_1049 = arith.index_cast %scan3A_959 : i32 to index
      %get3A_1050 = arith.constant 144 : index
      %get3A_1051 = tpu.vector_load %arg4[%get3A_1049, %get3A_1050] {strides = array<i32>} : memref<128x512xi32, #tpu.memory_space<vmem>>, vector<16xi32>,
      %mul3A_1052 = arith.constant 16 : i32
      %mul3A_1053 = vector.broadcast %mul3A_1052 : i32 to vector<16xi32>
      %mul3A_1054 = arith.muli %get3A_1051, %mul3A_1053 : vector<16xi32>
      %add3A_1055 = arith.constant 512 : i32
      %add3A_1056 = vector.broadcast %add3A_1055 : i32 to vector<16xi32>
      %add3A_1057 = arith.addi %add3A_1056, %iota3A : vector<16xi32>
      %add3A_1058 = arith.addi %mul3A_1054, %add3A_1057 : vector<16xi32>
      tpu.vector_store_idx %arg5[%add3A_1058], %broadcast_in_dim3A_290 {add = true} : memref<2048xf32, #tpu.memory_space<vmem>>[vector<16xi32>], vector<16xf32>,
      %get3A_1059 = arith.index_cast %scan3A_959 : i32 to index
      %get3A_1060 = arith.constant 160 : index
      %get3A_1061 = tpu.vector_load %arg4[%get3A_1059, %get3A_1060] {strides = array<i32>} : memref<128x512xi32, #tpu.memory_space<vmem>>, vector<16xi32>,
      %mul3A_1062 = arith.constant 16 : i32
      %mul3A_1063 = vector.broadcast %mul3A_1062 : i32 to vector<16xi32>
      %mul3A_1064 = arith.muli %get3A_1061, %mul3A_1063 : vector<16xi32>
      %add3A_1065 = arith.constant 1024 : i32
      %add3A_1066 = vector.broadcast %add3A_1065 : i32 to vector<16xi32>
      %add3A_1067 = arith.addi %add3A_1066, %iota3A : vector<16xi32>
      %add3A_1068 = arith.addi %mul3A_1064, %add3A_1067 : vector<16xi32>
      tpu.vector_store_idx %arg5[%add3A_1068], %broadcast_in_dim3A_290 {add = true} : memref<2048xf32, #tpu.memory_space<vmem>>[vector<16xi32>], vector<16xf32>,
      %get3A_1069 = arith.index_cast %scan3A_959 : i32 to index
      %get3A_1070 = arith.constant 176 : index
      %get3A_1071 = tpu.vector_load %arg4[%get3A_1069, %get3A_1070] {strides = array<i32>} : memref<128x512xi32, #tpu.memory_space<vmem>>, vector<16xi32>,
      %mul3A_1072 = arith.constant 16 : i32
      %mul3A_1073 = vector.broadcast %mul3A_1072 : i32 to vector<16xi32>
      %mul3A_1074 = arith.muli %get3A_1071, %mul3A_1073 : vector<16xi32>
      %add3A_1075 = arith.constant 1536 : i32
      %add3A_1076 = vector.broadcast %add3A_1075 : i32 to vector<16xi32>
      %add3A_1077 = arith.addi %add3A_1076, %iota3A : vector<16xi32>
      %add3A_1078 = arith.addi %mul3A_1074, %add3A_1077 : vector<16xi32>
      tpu.vector_store_idx %arg5[%add3A_1078], %broadcast_in_dim3A_290 {add = true} : memref<2048xf32, #tpu.memory_space<vmem>>[vector<16xi32>], vector<16xf32>,
      %get3A_1079 = arith.index_cast %scan3A_959 : i32 to index
      %get3A_1080 = arith.constant 192 : index
      %get3A_1081 = tpu.vector_load %arg4[%get3A_1079, %get3A_1080] {strides = array<i32>} : memref<128x512xi32, #tpu.memory_space<vmem>>, vector<16xi32>,
      %mul3A_1082 = arith.constant 16 : i32
      %mul3A_1083 = vector.broadcast %mul3A_1082 : i32 to vector<16xi32>
      %mul3A_1084 = arith.muli %get3A_1081, %mul3A_1083 : vector<16xi32>
      %add3A_1085 = arith.constant 0 : i32
      %add3A_1086 = vector.broadcast %add3A_1085 : i32 to vector<16xi32>
      %add3A_1087 = arith.addi %add3A_1086, %iota3A : vector<16xi32>
      %add3A_1088 = arith.addi %mul3A_1084, %add3A_1087 : vector<16xi32>
      tpu.vector_store_idx %arg5[%add3A_1088], %broadcast_in_dim3A_290 {add = true} : memref<2048xf32, #tpu.memory_space<vmem>>[vector<16xi32>], vector<16xf32>,
      %get3A_1089 = arith.index_cast %scan3A_959 : i32 to index
      %get3A_1090 = arith.constant 208 : index
      %get3A_1091 = tpu.vector_load %arg4[%get3A_1089, %get3A_1090] {strides = array<i32>} : memref<128x512xi32, #tpu.memory_space<vmem>>, vector<16xi32>,
      %mul3A_1092 = arith.constant 16 : i32
      %mul3A_1093 = vector.broadcast %mul3A_1092 : i32 to vector<16xi32>
      %mul3A_1094 = arith.muli %get3A_1091, %mul3A_1093 : vector<16xi32>
      %add3A_1095 = arith.constant 512 : i32
      %add3A_1096 = vector.broadcast %add3A_1095 : i32 to vector<16xi32>
      %add3A_1097 = arith.addi %add3A_1096, %iota3A : vector<16xi32>
      %add3A_1098 = arith.addi %mul3A_1094, %add3A_1097 : vector<16xi32>
      tpu.vector_store_idx %arg5[%add3A_1098], %broadcast_in_dim3A_290 {add = true} : memref<2048xf32, #tpu.memory_space<vmem>>[vector<16xi32>], vector<16xf32>,
      %get3A_1099 = arith.index_cast %scan3A_959 : i32 to index
      %get3A_1100 = arith.constant 224 : index
      %get3A_1101 = tpu.vector_load %arg4[%get3A_1099, %get3A_1100] {strides = array<i32>} : memref<128x512xi32, #tpu.memory_space<vmem>>, vector<16xi32>,
      %mul3A_1102 = arith.constant 16 : i32
      %mul3A_1103 = vector.broadcast %mul3A_1102 : i32 to vector<16xi32>
      %mul3A_1104 = arith.muli %get3A_1101, %mul3A_1103 : vector<16xi32>
      %add3A_1105 = arith.constant 1024 : i32
      %add3A_1106 = vector.broadcast %add3A_1105 : i32 to vector<16xi32>
      %add3A_1107 = arith.addi %add3A_1106, %iota3A : vector<16xi32>
      %add3A_1108 = arith.addi %mul3A_1104, %add3A_1107 : vector<16xi32>
      tpu.vector_store_idx %arg5[%add3A_1108], %broadcast_in_dim3A_290 {add = true} : memref<2048xf32, #tpu.memory_space<vmem>>[vector<16xi32>], vector<16xf32>,
      %get3A_1109 = arith.index_cast %scan3A_959 : i32 to index
      %get3A_1110 = arith.constant 240 : index
      %get3A_1111 = tpu.vector_load %arg4[%get3A_1109, %get3A_1110] {strides = array<i32>} : memref<128x512xi32, #tpu.memory_space<vmem>>, vector<16xi32>,
      %mul3A_1112 = arith.constant 16 : i32
      %mul3A_1113 = vector.broadcast %mul3A_1112 : i32 to vector<16xi32>
      %mul3A_1114 = arith.muli %get3A_1111, %mul3A_1113 : vector<16xi32>
      %add3A_1115 = arith.constant 1536 : i32
      %add3A_1116 = vector.broadcast %add3A_1115 : i32 to vector<16xi32>
      %add3A_1117 = arith.addi %add3A_1116, %iota3A : vector<16xi32>
      %add3A_1118 = arith.addi %mul3A_1114, %add3A_1117 : vector<16xi32>
      tpu.vector_store_idx %arg5[%add3A_1118], %broadcast_in_dim3A_290 {add = true} : memref<2048xf32, #tpu.memory_space<vmem>>[vector<16xi32>], vector<16xf32>,
      %get3A_1119 = arith.index_cast %scan3A_959 : i32 to index
      %get3A_1120 = arith.constant 256 : index
      %get3A_1121 = tpu.vector_load %arg4[%get3A_1119, %get3A_1120] {strides = array<i32>} : memref<128x512xi32, #tpu.memory_space<vmem>>, vector<16xi32>,
      %mul3A_1122 = arith.constant 16 : i32
      %mul3A_1123 = vector.broadcast %mul3A_1122 : i32 to vector<16xi32>
      %mul3A_1124 = arith.muli %get3A_1121, %mul3A_1123 : vector<16xi32>
      %add3A_1125 = arith.constant 0 : i32
      %add3A_1126 = vector.broadcast %add3A_1125 : i32 to vector<16xi32>
      %add3A_1127 = arith.addi %add3A_1126, %iota3A : vector<16xi32>
      %add3A_1128 = arith.addi %mul3A_1124, %add3A_1127 : vector<16xi32>
      tpu.vector_store_idx %arg5[%add3A_1128], %broadcast_in_dim3A_290 {add = true} : memref<2048xf32, #tpu.memory_space<vmem>>[vector<16xi32>], vector<16xf32>,
      %get3A_1129 = arith.index_cast %scan3A_959 : i32 to index
      %get3A_1130 = arith.constant 272 : index
      %get3A_1131 = tpu.vector_load %arg4[%get3A_1129, %get3A_1130] {strides = array<i32>} : memref<128x512xi32, #tpu.memory_space<vmem>>, vector<16xi32>,
      %mul3A_1132 = arith.constant 16 : i32
      %mul3A_1133 = vector.broadcast %mul3A_1132 : i32 to vector<16xi32>
      %mul3A_1134 = arith.muli %get3A_1131, %mul3A_1133 : vector<16xi32>
      %add3A_1135 = arith.constant 512 : i32
      %add3A_1136 = vector.broadcast %add3A_1135 : i32 to vector<16xi32>
      %add3A_1137 = arith.addi %add3A_1136, %iota3A : vector<16xi32>
      %add3A_1138 = arith.addi %mul3A_1134, %add3A_1137 : vector<16xi32>
      tpu.vector_store_idx %arg5[%add3A_1138], %broadcast_in_dim3A_290 {add = true} : memref<2048xf32, #tpu.memory_space<vmem>>[vector<16xi32>], vector<16xf32>,
      %get3A_1139 = arith.index_cast %scan3A_959 : i32 to index
      %get3A_1140 = arith.constant 288 : index
      %get3A_1141 = tpu.vector_load %arg4[%get3A_1139, %get3A_1140] {strides = array<i32>} : memref<128x512xi32, #tpu.memory_space<vmem>>, vector<16xi32>,
      %mul3A_1142 = arith.constant 16 : i32
      %mul3A_1143 = vector.broadcast %mul3A_1142 : i32 to vector<16xi32>
      %mul3A_1144 = arith.muli %get3A_1141, %mul3A_1143 : vector<16xi32>
      %add3A_1145 = arith.constant 1024 : i32
      %add3A_1146 = vector.broadcast %add3A_1145 : i32 to vector<16xi32>
      %add3A_1147 = arith.addi %add3A_1146, %iota3A : vector<16xi32>
      %add3A_1148 = arith.addi %mul3A_1144, %add3A_1147 : vector<16xi32>
      tpu.vector_store_idx %arg5[%add3A_1148], %broadcast_in_dim3A_290 {add = true} : memref<2048xf32, #tpu.memory_space<vmem>>[vector<16xi32>], vector<16xf32>,
      %get3A_1149 = arith.index_cast %scan3A_959 : i32 to index
      %get3A_1150 = arith.constant 304 : index
      %get3A_1151 = tpu.vector_load %arg4[%get3A_1149, %get3A_1150] {strides = array<i32>} : memref<128x512xi32, #tpu.memory_space<vmem>>, vector<16xi32>,
      %mul3A_1152 = arith.constant 16 : i32
      %mul3A_1153 = vector.broadcast %mul3A_1152 : i32 to vector<16xi32>
      %mul3A_1154 = arith.muli %get3A_1151, %mul3A_1153 : vector<16xi32>
      %add3A_1155 = arith.constant 1536 : i32
      %add3A_1156 = vector.broadcast %add3A_1155 : i32 to vector<16xi32>
      %add3A_1157 = arith.addi %add3A_1156, %iota3A : vector<16xi32>
      %add3A_1158 = arith.addi %mul3A_1154, %add3A_1157 : vector<16xi32>
      tpu.vector_store_idx %arg5[%add3A_1158], %broadcast_in_dim3A_290 {add = true} : memref<2048xf32, #tpu.memory_space<vmem>>[vector<16xi32>], vector<16xf32>,
      %get3A_1159 = arith.index_cast %scan3A_959 : i32 to index
      %get3A_1160 = arith.constant 320 : index
      %get3A_1161 = tpu.vector_load %arg4[%get3A_1159, %get3A_1160] {strides = array<i32>} : memref<128x512xi32, #tpu.memory_space<vmem>>, vector<16xi32>,
      %mul3A_1162 = arith.constant 16 : i32
      %mul3A_1163 = vector.broadcast %mul3A_1162 : i32 to vector<16xi32>
      %mul3A_1164 = arith.muli %get3A_1161, %mul3A_1163 : vector<16xi32>
      %add3A_1165 = arith.constant 0 : i32
      %add3A_1166 = vector.broadcast %add3A_1165 : i32 to vector<16xi32>
      %add3A_1167 = arith.addi %add3A_1166, %iota3A : vector<16xi32>
      %add3A_1168 = arith.addi %mul3A_1164, %add3A_1167 : vector<16xi32>
      tpu.vector_store_idx %arg5[%add3A_1168], %broadcast_in_dim3A_290 {add = true} : memref<2048xf32, #tpu.memory_space<vmem>>[vector<16xi32>], vector<16xf32>,
      %get3A_1169 = arith.index_cast %scan3A_959 : i32 to index
      %get3A_1170 = arith.constant 336 : index
      %get3A_1171 = tpu.vector_load %arg4[%get3A_1169, %get3A_1170] {strides = array<i32>} : memref<128x512xi32, #tpu.memory_space<vmem>>, vector<16xi32>,
      %mul3A_1172 = arith.constant 16 : i32
      %mul3A_1173 = vector.broadcast %mul3A_1172 : i32 to vector<16xi32>
      %mul3A_1174 = arith.muli %get3A_1171, %mul3A_1173 : vector<16xi32>
      %add3A_1175 = arith.constant 512 : i32
      %add3A_1176 = vector.broadcast %add3A_1175 : i32 to vector<16xi32>
      %add3A_1177 = arith.addi %add3A_1176, %iota3A : vector<16xi32>
      %add3A_1178 = arith.addi %mul3A_1174, %add3A_1177 : vector<16xi32>
      tpu.vector_store_idx %arg5[%add3A_1178], %broadcast_in_dim3A_290 {add = true} : memref<2048xf32, #tpu.memory_space<vmem>>[vector<16xi32>], vector<16xf32>,
      %get3A_1179 = arith.index_cast %scan3A_959 : i32 to index
      %get3A_1180 = arith.constant 352 : index
      %get3A_1181 = tpu.vector_load %arg4[%get3A_1179, %get3A_1180] {strides = array<i32>} : memref<128x512xi32, #tpu.memory_space<vmem>>, vector<16xi32>,
      %mul3A_1182 = arith.constant 16 : i32
      %mul3A_1183 = vector.broadcast %mul3A_1182 : i32 to vector<16xi32>
      %mul3A_1184 = arith.muli %get3A_1181, %mul3A_1183 : vector<16xi32>
      %add3A_1185 = arith.constant 1024 : i32
      %add3A_1186 = vector.broadcast %add3A_1185 : i32 to vector<16xi32>
      %add3A_1187 = arith.addi %add3A_1186, %iota3A : vector<16xi32>
      %add3A_1188 = arith.addi %mul3A_1184, %add3A_1187 : vector<16xi32>
      tpu.vector_store_idx %arg5[%add3A_1188], %broadcast_in_dim3A_290 {add = true} : memref<2048xf32, #tpu.memory_space<vmem>>[vector<16xi32>], vector<16xf32>,
      %get3A_1189 = arith.index_cast %scan3A_959 : i32 to index
      %get3A_1190 = arith.constant 368 : index
      %get3A_1191 = tpu.vector_load %arg4[%get3A_1189, %get3A_1190] {strides = array<i32>} : memref<128x512xi32, #tpu.memory_space<vmem>>, vector<16xi32>,
      %mul3A_1192 = arith.constant 16 : i32
      %mul3A_1193 = vector.broadcast %mul3A_1192 : i32 to vector<16xi32>
      %mul3A_1194 = arith.muli %get3A_1191, %mul3A_1193 : vector<16xi32>
      %add3A_1195 = arith.constant 1536 : i32
      %add3A_1196 = vector.broadcast %add3A_1195 : i32 to vector<16xi32>
      %add3A_1197 = arith.addi %add3A_1196, %iota3A : vector<16xi32>
      %add3A_1198 = arith.addi %mul3A_1194, %add3A_1197 : vector<16xi32>
      tpu.vector_store_idx %arg5[%add3A_1198], %broadcast_in_dim3A_290 {add = true} : memref<2048xf32, #tpu.memory_space<vmem>>[vector<16xi32>], vector<16xf32>,
      %get3A_1199 = arith.index_cast %scan3A_959 : i32 to index
      %get3A_1200 = arith.constant 384 : index
      %get3A_1201 = tpu.vector_load %arg4[%get3A_1199, %get3A_1200] {strides = array<i32>} : memref<128x512xi32, #tpu.memory_space<vmem>>, vector<16xi32>,
      %mul3A_1202 = arith.constant 16 : i32
      %mul3A_1203 = vector.broadcast %mul3A_1202 : i32 to vector<16xi32>
      %mul3A_1204 = arith.muli %get3A_1201, %mul3A_1203 : vector<16xi32>
      %add3A_1205 = arith.constant 0 : i32
      %add3A_1206 = vector.broadcast %add3A_1205 : i32 to vector<16xi32>
      %add3A_1207 = arith.addi %add3A_1206, %iota3A : vector<16xi32>
      %add3A_1208 = arith.addi %mul3A_1204, %add3A_1207 : vector<16xi32>
      tpu.vector_store_idx %arg5[%add3A_1208], %broadcast_in_dim3A_290 {add = true} : memref<2048xf32, #tpu.memory_space<vmem>>[vector<16xi32>], vector<16xf32>,
      %get3A_1209 = arith.index_cast %scan3A_959 : i32 to index
      %get3A_1210 = arith.constant 400 : index
      %get3A_1211 = tpu.vector_load %arg4[%get3A_1209, %get3A_1210] {strides = array<i32>} : memref<128x512xi32, #tpu.memory_space<vmem>>, vector<16xi32>,
      %mul3A_1212 = arith.constant 16 : i32
      %mul3A_1213 = vector.broadcast %mul3A_1212 : i32 to vector<16xi32>
      %mul3A_1214 = arith.muli %get3A_1211, %mul3A_1213 : vector<16xi32>
      %add3A_1215 = arith.constant 512 : i32
      %add3A_1216 = vector.broadcast %add3A_1215 : i32 to vector<16xi32>
      %add3A_1217 = arith.addi %add3A_1216, %iota3A : vector<16xi32>
      %add3A_1218 = arith.addi %mul3A_1214, %add3A_1217 : vector<16xi32>
      tpu.vector_store_idx %arg5[%add3A_1218], %broadcast_in_dim3A_290 {add = true} : memref<2048xf32, #tpu.memory_space<vmem>>[vector<16xi32>], vector<16xf32>,
      %get3A_1219 = arith.index_cast %scan3A_959 : i32 to index
      %get3A_1220 = arith.constant 416 : index
      %get3A_1221 = tpu.vector_load %arg4[%get3A_1219, %get3A_1220] {strides = array<i32>} : memref<128x512xi32, #tpu.memory_space<vmem>>, vector<16xi32>,
      %mul3A_1222 = arith.constant 16 : i32
      %mul3A_1223 = vector.broadcast %mul3A_1222 : i32 to vector<16xi32>
      %mul3A_1224 = arith.muli %get3A_1221, %mul3A_1223 : vector<16xi32>
      %add3A_1225 = arith.constant 1024 : i32
      %add3A_1226 = vector.broadcast %add3A_1225 : i32 to vector<16xi32>
      %add3A_1227 = arith.addi %add3A_1226, %iota3A : vector<16xi32>
      %add3A_1228 = arith.addi %mul3A_1224, %add3A_1227 : vector<16xi32>
      tpu.vector_store_idx %arg5[%add3A_1228], %broadcast_in_dim3A_290 {add = true} : memref<2048xf32, #tpu.memory_space<vmem>>[vector<16xi32>], vector<16xf32>,
      %get3A_1229 = arith.index_cast %scan3A_959 : i32 to index
      %get3A_1230 = arith.constant 432 : index
      %get3A_1231 = tpu.vector_load %arg4[%get3A_1229, %get3A_1230] {strides = array<i32>} : memref<128x512xi32, #tpu.memory_space<vmem>>, vector<16xi32>,
      %mul3A_1232 = arith.constant 16 : i32
      %mul3A_1233 = vector.broadcast %mul3A_1232 : i32 to vector<16xi32>
      %mul3A_1234 = arith.muli %get3A_1231, %mul3A_1233 : vector<16xi32>
      %add3A_1235 = arith.constant 1536 : i32
      %add3A_1236 = vector.broadcast %add3A_1235 : i32 to vector<16xi32>
      %add3A_1237 = arith.addi %add3A_1236, %iota3A : vector<16xi32>
      %add3A_1238 = arith.addi %mul3A_1234, %add3A_1237 : vector<16xi32>
      tpu.vector_store_idx %arg5[%add3A_1238], %broadcast_in_dim3A_290 {add = true} : memref<2048xf32, #tpu.memory_space<vmem>>[vector<16xi32>], vector<16xf32>,
      %get3A_1239 = arith.index_cast %scan3A_959 : i32 to index
      %get3A_1240 = arith.constant 448 : index
      %get3A_1241 = tpu.vector_load %arg4[%get3A_1239, %get3A_1240] {strides = array<i32>} : memref<128x512xi32, #tpu.memory_space<vmem>>, vector<16xi32>,
      %mul3A_1242 = arith.constant 16 : i32
      %mul3A_1243 = vector.broadcast %mul3A_1242 : i32 to vector<16xi32>
      %mul3A_1244 = arith.muli %get3A_1241, %mul3A_1243 : vector<16xi32>
      %add3A_1245 = arith.constant 0 : i32
      %add3A_1246 = vector.broadcast %add3A_1245 : i32 to vector<16xi32>
      %add3A_1247 = arith.addi %add3A_1246, %iota3A : vector<16xi32>
      %add3A_1248 = arith.addi %mul3A_1244, %add3A_1247 : vector<16xi32>
      tpu.vector_store_idx %arg5[%add3A_1248], %broadcast_in_dim3A_290 {add = true} : memref<2048xf32, #tpu.memory_space<vmem>>[vector<16xi32>], vector<16xf32>,
      %get3A_1249 = arith.index_cast %scan3A_959 : i32 to index
      %get3A_1250 = arith.constant 464 : index
      %get3A_1251 = tpu.vector_load %arg4[%get3A_1249, %get3A_1250] {strides = array<i32>} : memref<128x512xi32, #tpu.memory_space<vmem>>, vector<16xi32>,
      %mul3A_1252 = arith.constant 16 : i32
      %mul3A_1253 = vector.broadcast %mul3A_1252 : i32 to vector<16xi32>
      %mul3A_1254 = arith.muli %get3A_1251, %mul3A_1253 : vector<16xi32>
      %add3A_1255 = arith.constant 512 : i32
      %add3A_1256 = vector.broadcast %add3A_1255 : i32 to vector<16xi32>
      %add3A_1257 = arith.addi %add3A_1256, %iota3A : vector<16xi32>
      %add3A_1258 = arith.addi %mul3A_1254, %add3A_1257 : vector<16xi32>
      tpu.vector_store_idx %arg5[%add3A_1258], %broadcast_in_dim3A_290 {add = true} : memref<2048xf32, #tpu.memory_space<vmem>>[vector<16xi32>], vector<16xf32>,
      %get3A_1259 = arith.index_cast %scan3A_959 : i32 to index
      %get3A_1260 = arith.constant 480 : index
      %get3A_1261 = tpu.vector_load %arg4[%get3A_1259, %get3A_1260] {strides = array<i32>} : memref<128x512xi32, #tpu.memory_space<vmem>>, vector<16xi32>,
      %mul3A_1262 = arith.constant 16 : i32
      %mul3A_1263 = vector.broadcast %mul3A_1262 : i32 to vector<16xi32>
      %mul3A_1264 = arith.muli %get3A_1261, %mul3A_1263 : vector<16xi32>
      %add3A_1265 = arith.constant 1024 : i32
      %add3A_1266 = vector.broadcast %add3A_1265 : i32 to vector<16xi32>
      %add3A_1267 = arith.addi %add3A_1266, %iota3A : vector<16xi32>
      %add3A_1268 = arith.addi %mul3A_1264, %add3A_1267 : vector<16xi32>
      tpu.vector_store_idx %arg5[%add3A_1268], %broadcast_in_dim3A_290 {add = true} : memref<2048xf32, #tpu.memory_space<vmem>>[vector<16xi32>], vector<16xf32>,
      %get3A_1269 = arith.index_cast %scan3A_959 : i32 to index
      %get3A_1270 = arith.constant 496 : index
      %get3A_1271 = tpu.vector_load %arg4[%get3A_1269, %get3A_1270] {strides = array<i32>} : memref<128x512xi32, #tpu.memory_space<vmem>>, vector<16xi32>,
      %mul3A_1272 = arith.constant 16 : i32
      %mul3A_1273 = vector.broadcast %mul3A_1272 : i32 to vector<16xi32>
      %mul3A_1274 = arith.muli %get3A_1271, %mul3A_1273 : vector<16xi32>
      %add3A_1275 = arith.constant 1536 : i32
      %add3A_1276 = vector.broadcast %add3A_1275 : i32 to vector<16xi32>
      %add3A_1277 = arith.addi %add3A_1276, %iota3A : vector<16xi32>
      %add3A_1278 = arith.addi %mul3A_1274, %add3A_1277 : vector<16xi32>
      tpu.vector_store_idx %arg5[%add3A_1278], %broadcast_in_dim3A_290 {add = true} : memref<2048xf32, #tpu.memory_space<vmem>>[vector<16xi32>], vector<16xf32>,
    }
    %scan3A_295 = arith.constant 128 : i32
    %broadcast_in_dim3A_296 = arith.constant 0.000000e+00 : f32
    %broadcast_in_dim3A_297 = vector.broadcast %broadcast_in_dim3A_296 : f32 to vector<16xf32>
    %mul3A_298 = arith.constant 16 : i32
    %mul3A_299 = vector.broadcast %mul3A_298 : i32 to vector<16xi32>
    %mul3A_300 = arith.muli %iota3A, %mul3A_299 : vector<16xi32>
    %add3A_301 = arith.constant 0 : i32
    %add3A_302 = vector.broadcast %add3A_301 : i32 to vector<16xi32>
    %add3A_303 = arith.addi %mul3A_300, %add3A_302 : vector<16xi32>
    %add3A_304 = arith.constant 0 : i32
    %add3A_305 = vector.broadcast %add3A_304 : i32 to vector<16xi32>
    %add3A_306 = arith.addi %add3A_303, %add3A_305 : vector<16xi32>
    %gather3A = tpu.vector_load_idx %arg5[%add3A_306] : memref<2048xf32, #tpu.memory_space<vmem>>[vector<16xi32>], vector<16xf32>,
    %add3A_307 = arith.addf %broadcast_in_dim3A_297, %gather3A : vector<16xf32>
    %add3A_308 = arith.constant 1 : i32
    %add3A_309 = vector.broadcast %add3A_308 : i32 to vector<16xi32>
    %add3A_310 = arith.addi %add3A_303, %add3A_309 : vector<16xi32>
    %gather3A_311 = tpu.vector_load_idx %arg5[%add3A_310] : memref<2048xf32, #tpu.memory_space<vmem>>[vector<16xi32>], vector<16xf32>,
    %add3A_312 = arith.addf %add3A_307, %gather3A_311 : vector<16xf32>
    %add3A_313 = arith.constant 2 : i32
    %add3A_314 = vector.broadcast %add3A_313 : i32 to vector<16xi32>
    %add3A_315 = arith.addi %add3A_303, %add3A_314 : vector<16xi32>
    %gather3A_316 = tpu.vector_load_idx %arg5[%add3A_315] : memref<2048xf32, #tpu.memory_space<vmem>>[vector<16xi32>], vector<16xf32>,
    %add3A_317 = arith.addf %add3A_312, %gather3A_316 : vector<16xf32>
    %add3A_318 = arith.constant 3 : i32
    %add3A_319 = vector.broadcast %add3A_318 : i32 to vector<16xi32>
    %add3A_320 = arith.addi %add3A_303, %add3A_319 : vector<16xi32>
    %gather3A_321 = tpu.vector_load_idx %arg5[%add3A_320] : memref<2048xf32, #tpu.memory_space<vmem>>[vector<16xi32>], vector<16xf32>,
    %add3A_322 = arith.addf %add3A_317, %gather3A_321 : vector<16xf32>
    %add3A_323 = arith.constant 4 : i32
    %add3A_324 = vector.broadcast %add3A_323 : i32 to vector<16xi32>
    %add3A_325 = arith.addi %add3A_303, %add3A_324 : vector<16xi32>
    %gather3A_326 = tpu.vector_load_idx %arg5[%add3A_325] : memref<2048xf32, #tpu.memory_space<vmem>>[vector<16xi32>], vector<16xf32>,
    %add3A_327 = arith.addf %add3A_322, %gather3A_326 : vector<16xf32>
    %add3A_328 = arith.constant 5 : i32
    %add3A_329 = vector.broadcast %add3A_328 : i32 to vector<16xi32>
    %add3A_330 = arith.addi %add3A_303, %add3A_329 : vector<16xi32>
    %gather3A_331 = tpu.vector_load_idx %arg5[%add3A_330] : memref<2048xf32, #tpu.memory_space<vmem>>[vector<16xi32>], vector<16xf32>,
    %add3A_332 = arith.addf %add3A_327, %gather3A_331 : vector<16xf32>
    %add3A_333 = arith.constant 6 : i32
    %add3A_334 = vector.broadcast %add3A_333 : i32 to vector<16xi32>
    %add3A_335 = arith.addi %add3A_303, %add3A_334 : vector<16xi32>
    %gather3A_336 = tpu.vector_load_idx %arg5[%add3A_335] : memref<2048xf32, #tpu.memory_space<vmem>>[vector<16xi32>], vector<16xf32>,
    %add3A_337 = arith.addf %add3A_332, %gather3A_336 : vector<16xf32>
    %add3A_338 = arith.constant 7 : i32
    %add3A_339 = vector.broadcast %add3A_338 : i32 to vector<16xi32>
    %add3A_340 = arith.addi %add3A_303, %add3A_339 : vector<16xi32>
    %gather3A_341 = tpu.vector_load_idx %arg5[%add3A_340] : memref<2048xf32, #tpu.memory_space<vmem>>[vector<16xi32>], vector<16xf32>,
    %add3A_342 = arith.addf %add3A_337, %gather3A_341 : vector<16xf32>
    %add3A_343 = arith.constant 8 : i32
    %add3A_344 = vector.broadcast %add3A_343 : i32 to vector<16xi32>
    %add3A_345 = arith.addi %add3A_303, %add3A_344 : vector<16xi32>
    %gather3A_346 = tpu.vector_load_idx %arg5[%add3A_345] : memref<2048xf32, #tpu.memory_space<vmem>>[vector<16xi32>], vector<16xf32>,
    %add3A_347 = arith.addf %add3A_342, %gather3A_346 : vector<16xf32>
    %add3A_348 = arith.constant 9 : i32
    %add3A_349 = vector.broadcast %add3A_348 : i32 to vector<16xi32>
    %add3A_350 = arith.addi %add3A_303, %add3A_349 : vector<16xi32>
    %gather3A_351 = tpu.vector_load_idx %arg5[%add3A_350] : memref<2048xf32, #tpu.memory_space<vmem>>[vector<16xi32>], vector<16xf32>,
    %add3A_352 = arith.addf %add3A_347, %gather3A_351 : vector<16xf32>
    %add3A_353 = arith.constant 10 : i32
    %add3A_354 = vector.broadcast %add3A_353 : i32 to vector<16xi32>
    %add3A_355 = arith.addi %add3A_303, %add3A_354 : vector<16xi32>
    %gather3A_356 = tpu.vector_load_idx %arg5[%add3A_355] : memref<2048xf32, #tpu.memory_space<vmem>>[vector<16xi32>], vector<16xf32>,
    %add3A_357 = arith.addf %add3A_352, %gather3A_356 : vector<16xf32>
    %add3A_358 = arith.constant 11 : i32
    %add3A_359 = vector.broadcast %add3A_358 : i32 to vector<16xi32>
    %add3A_360 = arith.addi %add3A_303, %add3A_359 : vector<16xi32>
    %gather3A_361 = tpu.vector_load_idx %arg5[%add3A_360] : memref<2048xf32, #tpu.memory_space<vmem>>[vector<16xi32>], vector<16xf32>,
    %add3A_362 = arith.addf %add3A_357, %gather3A_361 : vector<16xf32>
    %add3A_363 = arith.constant 12 : i32
    %add3A_364 = vector.broadcast %add3A_363 : i32 to vector<16xi32>
    %add3A_365 = arith.addi %add3A_303, %add3A_364 : vector<16xi32>
    %gather3A_366 = tpu.vector_load_idx %arg5[%add3A_365] : memref<2048xf32, #tpu.memory_space<vmem>>[vector<16xi32>], vector<16xf32>,
    %add3A_367 = arith.addf %add3A_362, %gather3A_366 : vector<16xf32>
    %add3A_368 = arith.constant 13 : i32
    %add3A_369 = vector.broadcast %add3A_368 : i32 to vector<16xi32>
    %add3A_370 = arith.addi %add3A_303, %add3A_369 : vector<16xi32>
    %gather3A_371 = tpu.vector_load_idx %arg5[%add3A_370] : memref<2048xf32, #tpu.memory_space<vmem>>[vector<16xi32>], vector<16xf32>,
    %add3A_372 = arith.addf %add3A_367, %gather3A_371 : vector<16xf32>
    %add3A_373 = arith.constant 14 : i32
    %add3A_374 = vector.broadcast %add3A_373 : i32 to vector<16xi32>
    %add3A_375 = arith.addi %add3A_303, %add3A_374 : vector<16xi32>
    %gather3A_376 = tpu.vector_load_idx %arg5[%add3A_375] : memref<2048xf32, #tpu.memory_space<vmem>>[vector<16xi32>], vector<16xf32>,
    %add3A_377 = arith.addf %add3A_372, %gather3A_376 : vector<16xf32>
    %add3A_378 = arith.constant 15 : i32
    %add3A_379 = vector.broadcast %add3A_378 : i32 to vector<16xi32>
    %add3A_380 = arith.addi %add3A_303, %add3A_379 : vector<16xi32>
    %gather3A_381 = tpu.vector_load_idx %arg5[%add3A_380] : memref<2048xf32, #tpu.memory_space<vmem>>[vector<16xi32>], vector<16xf32>,
    %add3A_382 = arith.addf %add3A_377, %gather3A_381 : vector<16xf32>
    %add3A_383 = arith.constant 512 : i32
    %add3A_384 = vector.broadcast %add3A_383 : i32 to vector<16xi32>
    %add3A_385 = arith.addi %add3A_303, %add3A_384 : vector<16xi32>
    %gather3A_386 = tpu.vector_load_idx %arg5[%add3A_385] : memref<2048xf32, #tpu.memory_space<vmem>>[vector<16xi32>], vector<16xf32>,
    %add3A_387 = arith.addf %add3A_382, %gather3A_386 : vector<16xf32>
    %add3A_388 = arith.constant 513 : i32
    %add3A_389 = vector.broadcast %add3A_388 : i32 to vector<16xi32>
    %add3A_390 = arith.addi %add3A_303, %add3A_389 : vector<16xi32>
    %gather3A_391 = tpu.vector_load_idx %arg5[%add3A_390] : memref<2048xf32, #tpu.memory_space<vmem>>[vector<16xi32>], vector<16xf32>,
    %add3A_392 = arith.addf %add3A_387, %gather3A_391 : vector<16xf32>
    %add3A_393 = arith.constant 514 : i32
    %add3A_394 = vector.broadcast %add3A_393 : i32 to vector<16xi32>
    %add3A_395 = arith.addi %add3A_303, %add3A_394 : vector<16xi32>
    %gather3A_396 = tpu.vector_load_idx %arg5[%add3A_395] : memref<2048xf32, #tpu.memory_space<vmem>>[vector<16xi32>], vector<16xf32>,
    %add3A_397 = arith.addf %add3A_392, %gather3A_396 : vector<16xf32>
    %add3A_398 = arith.constant 515 : i32
    %add3A_399 = vector.broadcast %add3A_398 : i32 to vector<16xi32>
    %add3A_400 = arith.addi %add3A_303, %add3A_399 : vector<16xi32>
    %gather3A_401 = tpu.vector_load_idx %arg5[%add3A_400] : memref<2048xf32, #tpu.memory_space<vmem>>[vector<16xi32>], vector<16xf32>,
    %add3A_402 = arith.addf %add3A_397, %gather3A_401 : vector<16xf32>
    %add3A_403 = arith.constant 516 : i32
    %add3A_404 = vector.broadcast %add3A_403 : i32 to vector<16xi32>
    %add3A_405 = arith.addi %add3A_303, %add3A_404 : vector<16xi32>
    %gather3A_406 = tpu.vector_load_idx %arg5[%add3A_405] : memref<2048xf32, #tpu.memory_space<vmem>>[vector<16xi32>], vector<16xf32>,
    %add3A_407 = arith.addf %add3A_402, %gather3A_406 : vector<16xf32>
    %add3A_408 = arith.constant 517 : i32
    %add3A_409 = vector.broadcast %add3A_408 : i32 to vector<16xi32>
    %add3A_410 = arith.addi %add3A_303, %add3A_409 : vector<16xi32>
    %gather3A_411 = tpu.vector_load_idx %arg5[%add3A_410] : memref<2048xf32, #tpu.memory_space<vmem>>[vector<16xi32>], vector<16xf32>,
    %add3A_412 = arith.addf %add3A_407, %gather3A_411 : vector<16xf32>
    %add3A_413 = arith.constant 518 : i32
    %add3A_414 = vector.broadcast %add3A_413 : i32 to vector<16xi32>
    %add3A_415 = arith.addi %add3A_303, %add3A_414 : vector<16xi32>
    %gather3A_416 = tpu.vector_load_idx %arg5[%add3A_415] : memref<2048xf32, #tpu.memory_space<vmem>>[vector<16xi32>], vector<16xf32>,
    %add3A_417 = arith.addf %add3A_412, %gather3A_416 : vector<16xf32>
    %add3A_418 = arith.constant 519 : i32
    %add3A_419 = vector.broadcast %add3A_418 : i32 to vector<16xi32>
    %add3A_420 = arith.addi %add3A_303, %add3A_419 : vector<16xi32>
    %gather3A_421 = tpu.vector_load_idx %arg5[%add3A_420] : memref<2048xf32, #tpu.memory_space<vmem>>[vector<16xi32>], vector<16xf32>,
    %add3A_422 = arith.addf %add3A_417, %gather3A_421 : vector<16xf32>
    %add3A_423 = arith.constant 520 : i32
    %add3A_424 = vector.broadcast %add3A_423 : i32 to vector<16xi32>
    %add3A_425 = arith.addi %add3A_303, %add3A_424 : vector<16xi32>
    %gather3A_426 = tpu.vector_load_idx %arg5[%add3A_425] : memref<2048xf32, #tpu.memory_space<vmem>>[vector<16xi32>], vector<16xf32>,
    %add3A_427 = arith.addf %add3A_422, %gather3A_426 : vector<16xf32>
    %add3A_428 = arith.constant 521 : i32
    %add3A_429 = vector.broadcast %add3A_428 : i32 to vector<16xi32>
    %add3A_430 = arith.addi %add3A_303, %add3A_429 : vector<16xi32>
    %gather3A_431 = tpu.vector_load_idx %arg5[%add3A_430] : memref<2048xf32, #tpu.memory_space<vmem>>[vector<16xi32>], vector<16xf32>,
    %add3A_432 = arith.addf %add3A_427, %gather3A_431 : vector<16xf32>
    %add3A_433 = arith.constant 522 : i32
    %add3A_434 = vector.broadcast %add3A_433 : i32 to vector<16xi32>
    %add3A_435 = arith.addi %add3A_303, %add3A_434 : vector<16xi32>
    %gather3A_436 = tpu.vector_load_idx %arg5[%add3A_435] : memref<2048xf32, #tpu.memory_space<vmem>>[vector<16xi32>], vector<16xf32>,
    %add3A_437 = arith.addf %add3A_432, %gather3A_436 : vector<16xf32>
    %add3A_438 = arith.constant 523 : i32
    %add3A_439 = vector.broadcast %add3A_438 : i32 to vector<16xi32>
    %add3A_440 = arith.addi %add3A_303, %add3A_439 : vector<16xi32>
    %gather3A_441 = tpu.vector_load_idx %arg5[%add3A_440] : memref<2048xf32, #tpu.memory_space<vmem>>[vector<16xi32>], vector<16xf32>,
    %add3A_442 = arith.addf %add3A_437, %gather3A_441 : vector<16xf32>
    %add3A_443 = arith.constant 524 : i32
    %add3A_444 = vector.broadcast %add3A_443 : i32 to vector<16xi32>
    %add3A_445 = arith.addi %add3A_303, %add3A_444 : vector<16xi32>
    %gather3A_446 = tpu.vector_load_idx %arg5[%add3A_445] : memref<2048xf32, #tpu.memory_space<vmem>>[vector<16xi32>], vector<16xf32>,
    %add3A_447 = arith.addf %add3A_442, %gather3A_446 : vector<16xf32>
    %add3A_448 = arith.constant 525 : i32
    %add3A_449 = vector.broadcast %add3A_448 : i32 to vector<16xi32>
    %add3A_450 = arith.addi %add3A_303, %add3A_449 : vector<16xi32>
    %gather3A_451 = tpu.vector_load_idx %arg5[%add3A_450] : memref<2048xf32, #tpu.memory_space<vmem>>[vector<16xi32>], vector<16xf32>,
    %add3A_452 = arith.addf %add3A_447, %gather3A_451 : vector<16xf32>
    %add3A_453 = arith.constant 526 : i32
    %add3A_454 = vector.broadcast %add3A_453 : i32 to vector<16xi32>
    %add3A_455 = arith.addi %add3A_303, %add3A_454 : vector<16xi32>
    %gather3A_456 = tpu.vector_load_idx %arg5[%add3A_455] : memref<2048xf32, #tpu.memory_space<vmem>>[vector<16xi32>], vector<16xf32>,
    %add3A_457 = arith.addf %add3A_452, %gather3A_456 : vector<16xf32>
    %add3A_458 = arith.constant 527 : i32
    %add3A_459 = vector.broadcast %add3A_458 : i32 to vector<16xi32>
    %add3A_460 = arith.addi %add3A_303, %add3A_459 : vector<16xi32>
    %gather3A_461 = tpu.vector_load_idx %arg5[%add3A_460] : memref<2048xf32, #tpu.memory_space<vmem>>[vector<16xi32>], vector<16xf32>,
    %add3A_462 = arith.addf %add3A_457, %gather3A_461 : vector<16xf32>
    %add3A_463 = arith.constant 1024 : i32
    %add3A_464 = vector.broadcast %add3A_463 : i32 to vector<16xi32>
    %add3A_465 = arith.addi %add3A_303, %add3A_464 : vector<16xi32>
    %gather3A_466 = tpu.vector_load_idx %arg5[%add3A_465] : memref<2048xf32, #tpu.memory_space<vmem>>[vector<16xi32>], vector<16xf32>,
    %add3A_467 = arith.addf %add3A_462, %gather3A_466 : vector<16xf32>
    %add3A_468 = arith.constant 1025 : i32
    %add3A_469 = vector.broadcast %add3A_468 : i32 to vector<16xi32>
    %add3A_470 = arith.addi %add3A_303, %add3A_469 : vector<16xi32>
    %gather3A_471 = tpu.vector_load_idx %arg5[%add3A_470] : memref<2048xf32, #tpu.memory_space<vmem>>[vector<16xi32>], vector<16xf32>,
    %add3A_472 = arith.addf %add3A_467, %gather3A_471 : vector<16xf32>
    %add3A_473 = arith.constant 1026 : i32
    %add3A_474 = vector.broadcast %add3A_473 : i32 to vector<16xi32>
    %add3A_475 = arith.addi %add3A_303, %add3A_474 : vector<16xi32>
    %gather3A_476 = tpu.vector_load_idx %arg5[%add3A_475] : memref<2048xf32, #tpu.memory_space<vmem>>[vector<16xi32>], vector<16xf32>,
    %add3A_477 = arith.addf %add3A_472, %gather3A_476 : vector<16xf32>
    %add3A_478 = arith.constant 1027 : i32
    %add3A_479 = vector.broadcast %add3A_478 : i32 to vector<16xi32>
    %add3A_480 = arith.addi %add3A_303, %add3A_479 : vector<16xi32>
    %gather3A_481 = tpu.vector_load_idx %arg5[%add3A_480] : memref<2048xf32, #tpu.memory_space<vmem>>[vector<16xi32>], vector<16xf32>,
    %add3A_482 = arith.addf %add3A_477, %gather3A_481 : vector<16xf32>
    %add3A_483 = arith.constant 1028 : i32
    %add3A_484 = vector.broadcast %add3A_483 : i32 to vector<16xi32>
    %add3A_485 = arith.addi %add3A_303, %add3A_484 : vector<16xi32>
    %gather3A_486 = tpu.vector_load_idx %arg5[%add3A_485] : memref<2048xf32, #tpu.memory_space<vmem>>[vector<16xi32>], vector<16xf32>,
    %add3A_487 = arith.addf %add3A_482, %gather3A_486 : vector<16xf32>
    %add3A_488 = arith.constant 1029 : i32
    %add3A_489 = vector.broadcast %add3A_488 : i32 to vector<16xi32>
    %add3A_490 = arith.addi %add3A_303, %add3A_489 : vector<16xi32>
    %gather3A_491 = tpu.vector_load_idx %arg5[%add3A_490] : memref<2048xf32, #tpu.memory_space<vmem>>[vector<16xi32>], vector<16xf32>,
    %add3A_492 = arith.addf %add3A_487, %gather3A_491 : vector<16xf32>
    %add3A_493 = arith.constant 1030 : i32
    %add3A_494 = vector.broadcast %add3A_493 : i32 to vector<16xi32>
    %add3A_495 = arith.addi %add3A_303, %add3A_494 : vector<16xi32>
    %gather3A_496 = tpu.vector_load_idx %arg5[%add3A_495] : memref<2048xf32, #tpu.memory_space<vmem>>[vector<16xi32>], vector<16xf32>,
    %add3A_497 = arith.addf %add3A_492, %gather3A_496 : vector<16xf32>
    %add3A_498 = arith.constant 1031 : i32
    %add3A_499 = vector.broadcast %add3A_498 : i32 to vector<16xi32>
    %add3A_500 = arith.addi %add3A_303, %add3A_499 : vector<16xi32>
    %gather3A_501 = tpu.vector_load_idx %arg5[%add3A_500] : memref<2048xf32, #tpu.memory_space<vmem>>[vector<16xi32>], vector<16xf32>,
    %add3A_502 = arith.addf %add3A_497, %gather3A_501 : vector<16xf32>
    %add3A_503 = arith.constant 1032 : i32
    %add3A_504 = vector.broadcast %add3A_503 : i32 to vector<16xi32>
    %add3A_505 = arith.addi %add3A_303, %add3A_504 : vector<16xi32>
    %gather3A_506 = tpu.vector_load_idx %arg5[%add3A_505] : memref<2048xf32, #tpu.memory_space<vmem>>[vector<16xi32>], vector<16xf32>,
    %add3A_507 = arith.addf %add3A_502, %gather3A_506 : vector<16xf32>
    %add3A_508 = arith.constant 1033 : i32
    %add3A_509 = vector.broadcast %add3A_508 : i32 to vector<16xi32>
    %add3A_510 = arith.addi %add3A_303, %add3A_509 : vector<16xi32>
    %gather3A_511 = tpu.vector_load_idx %arg5[%add3A_510] : memref<2048xf32, #tpu.memory_space<vmem>>[vector<16xi32>], vector<16xf32>,
    %add3A_512 = arith.addf %add3A_507, %gather3A_511 : vector<16xf32>
    %add3A_513 = arith.constant 1034 : i32
    %add3A_514 = vector.broadcast %add3A_513 : i32 to vector<16xi32>
    %add3A_515 = arith.addi %add3A_303, %add3A_514 : vector<16xi32>
    %gather3A_516 = tpu.vector_load_idx %arg5[%add3A_515] : memref<2048xf32, #tpu.memory_space<vmem>>[vector<16xi32>], vector<16xf32>,
    %add3A_517 = arith.addf %add3A_512, %gather3A_516 : vector<16xf32>
    %add3A_518 = arith.constant 1035 : i32
    %add3A_519 = vector.broadcast %add3A_518 : i32 to vector<16xi32>
    %add3A_520 = arith.addi %add3A_303, %add3A_519 : vector<16xi32>
    %gather3A_521 = tpu.vector_load_idx %arg5[%add3A_520] : memref<2048xf32, #tpu.memory_space<vmem>>[vector<16xi32>], vector<16xf32>,
    %add3A_522 = arith.addf %add3A_517, %gather3A_521 : vector<16xf32>
    %add3A_523 = arith.constant 1036 : i32
    %add3A_524 = vector.broadcast %add3A_523 : i32 to vector<16xi32>
    %add3A_525 = arith.addi %add3A_303, %add3A_524 : vector<16xi32>
    %gather3A_526 = tpu.vector_load_idx %arg5[%add3A_525] : memref<2048xf32, #tpu.memory_space<vmem>>[vector<16xi32>], vector<16xf32>,
    %add3A_527 = arith.addf %add3A_522, %gather3A_526 : vector<16xf32>
    %add3A_528 = arith.constant 1037 : i32
    %add3A_529 = vector.broadcast %add3A_528 : i32 to vector<16xi32>
    %add3A_530 = arith.addi %add3A_303, %add3A_529 : vector<16xi32>
    %gather3A_531 = tpu.vector_load_idx %arg5[%add3A_530] : memref<2048xf32, #tpu.memory_space<vmem>>[vector<16xi32>], vector<16xf32>,
    %add3A_532 = arith.addf %add3A_527, %gather3A_531 : vector<16xf32>
    %add3A_533 = arith.constant 1038 : i32
    %add3A_534 = vector.broadcast %add3A_533 : i32 to vector<16xi32>
    %add3A_535 = arith.addi %add3A_303, %add3A_534 : vector<16xi32>
    %gather3A_536 = tpu.vector_load_idx %arg5[%add3A_535] : memref<2048xf32, #tpu.memory_space<vmem>>[vector<16xi32>], vector<16xf32>,
    %add3A_537 = arith.addf %add3A_532, %gather3A_536 : vector<16xf32>
    %add3A_538 = arith.constant 1039 : i32
    %add3A_539 = vector.broadcast %add3A_538 : i32 to vector<16xi32>
    %add3A_540 = arith.addi %add3A_303, %add3A_539 : vector<16xi32>
    %gather3A_541 = tpu.vector_load_idx %arg5[%add3A_540] : memref<2048xf32, #tpu.memory_space<vmem>>[vector<16xi32>], vector<16xf32>,
    %add3A_542 = arith.addf %add3A_537, %gather3A_541 : vector<16xf32>
    %add3A_543 = arith.constant 1536 : i32
    %add3A_544 = vector.broadcast %add3A_543 : i32 to vector<16xi32>
    %add3A_545 = arith.addi %add3A_303, %add3A_544 : vector<16xi32>
    %gather3A_546 = tpu.vector_load_idx %arg5[%add3A_545] : memref<2048xf32, #tpu.memory_space<vmem>>[vector<16xi32>], vector<16xf32>,
    %add3A_547 = arith.addf %add3A_542, %gather3A_546 : vector<16xf32>
    %add3A_548 = arith.constant 1537 : i32
    %add3A_549 = vector.broadcast %add3A_548 : i32 to vector<16xi32>
    %add3A_550 = arith.addi %add3A_303, %add3A_549 : vector<16xi32>
    %gather3A_551 = tpu.vector_load_idx %arg5[%add3A_550] : memref<2048xf32, #tpu.memory_space<vmem>>[vector<16xi32>], vector<16xf32>,
    %add3A_552 = arith.addf %add3A_547, %gather3A_551 : vector<16xf32>
    %add3A_553 = arith.constant 1538 : i32
    %add3A_554 = vector.broadcast %add3A_553 : i32 to vector<16xi32>
    %add3A_555 = arith.addi %add3A_303, %add3A_554 : vector<16xi32>
    %gather3A_556 = tpu.vector_load_idx %arg5[%add3A_555] : memref<2048xf32, #tpu.memory_space<vmem>>[vector<16xi32>], vector<16xf32>,
    %add3A_557 = arith.addf %add3A_552, %gather3A_556 : vector<16xf32>
    %add3A_558 = arith.constant 1539 : i32
    %add3A_559 = vector.broadcast %add3A_558 : i32 to vector<16xi32>
    %add3A_560 = arith.addi %add3A_303, %add3A_559 : vector<16xi32>
    %gather3A_561 = tpu.vector_load_idx %arg5[%add3A_560] : memref<2048xf32, #tpu.memory_space<vmem>>[vector<16xi32>], vector<16xf32>,
    %add3A_562 = arith.addf %add3A_557, %gather3A_561 : vector<16xf32>
    %add3A_563 = arith.constant 1540 : i32
    %add3A_564 = vector.broadcast %add3A_563 : i32 to vector<16xi32>
    %add3A_565 = arith.addi %add3A_303, %add3A_564 : vector<16xi32>
    %gather3A_566 = tpu.vector_load_idx %arg5[%add3A_565] : memref<2048xf32, #tpu.memory_space<vmem>>[vector<16xi32>], vector<16xf32>,
    %add3A_567 = arith.addf %add3A_562, %gather3A_566 : vector<16xf32>
    %add3A_568 = arith.constant 1541 : i32
    %add3A_569 = vector.broadcast %add3A_568 : i32 to vector<16xi32>
    %add3A_570 = arith.addi %add3A_303, %add3A_569 : vector<16xi32>
    %gather3A_571 = tpu.vector_load_idx %arg5[%add3A_570] : memref<2048xf32, #tpu.memory_space<vmem>>[vector<16xi32>], vector<16xf32>,
    %add3A_572 = arith.addf %add3A_567, %gather3A_571 : vector<16xf32>
    %add3A_573 = arith.constant 1542 : i32
    %add3A_574 = vector.broadcast %add3A_573 : i32 to vector<16xi32>
    %add3A_575 = arith.addi %add3A_303, %add3A_574 : vector<16xi32>
    %gather3A_576 = tpu.vector_load_idx %arg5[%add3A_575] : memref<2048xf32, #tpu.memory_space<vmem>>[vector<16xi32>], vector<16xf32>,
    %add3A_577 = arith.addf %add3A_572, %gather3A_576 : vector<16xf32>
    %add3A_578 = arith.constant 1543 : i32
    %add3A_579 = vector.broadcast %add3A_578 : i32 to vector<16xi32>
    %add3A_580 = arith.addi %add3A_303, %add3A_579 : vector<16xi32>
    %gather3A_581 = tpu.vector_load_idx %arg5[%add3A_580] : memref<2048xf32, #tpu.memory_space<vmem>>[vector<16xi32>], vector<16xf32>,
    %add3A_582 = arith.addf %add3A_577, %gather3A_581 : vector<16xf32>
    %add3A_583 = arith.constant 1544 : i32
    %add3A_584 = vector.broadcast %add3A_583 : i32 to vector<16xi32>
    %add3A_585 = arith.addi %add3A_303, %add3A_584 : vector<16xi32>
    %gather3A_586 = tpu.vector_load_idx %arg5[%add3A_585] : memref<2048xf32, #tpu.memory_space<vmem>>[vector<16xi32>], vector<16xf32>,
    %add3A_587 = arith.addf %add3A_582, %gather3A_586 : vector<16xf32>
    %add3A_588 = arith.constant 1545 : i32
    %add3A_589 = vector.broadcast %add3A_588 : i32 to vector<16xi32>
    %add3A_590 = arith.addi %add3A_303, %add3A_589 : vector<16xi32>
    %gather3A_591 = tpu.vector_load_idx %arg5[%add3A_590] : memref<2048xf32, #tpu.memory_space<vmem>>[vector<16xi32>], vector<16xf32>,
    %add3A_592 = arith.addf %add3A_587, %gather3A_591 : vector<16xf32>
    %add3A_593 = arith.constant 1546 : i32
    %add3A_594 = vector.broadcast %add3A_593 : i32 to vector<16xi32>
    %add3A_595 = arith.addi %add3A_303, %add3A_594 : vector<16xi32>
    %gather3A_596 = tpu.vector_load_idx %arg5[%add3A_595] : memref<2048xf32, #tpu.memory_space<vmem>>[vector<16xi32>], vector<16xf32>,
    %add3A_597 = arith.addf %add3A_592, %gather3A_596 : vector<16xf32>
    %add3A_598 = arith.constant 1547 : i32
    %add3A_599 = vector.broadcast %add3A_598 : i32 to vector<16xi32>
    %add3A_600 = arith.addi %add3A_303, %add3A_599 : vector<16xi32>
    %gather3A_601 = tpu.vector_load_idx %arg5[%add3A_600] : memref<2048xf32, #tpu.memory_space<vmem>>[vector<16xi32>], vector<16xf32>,
    %add3A_602 = arith.addf %add3A_597, %gather3A_601 : vector<16xf32>
    %add3A_603 = arith.constant 1548 : i32
    %add3A_604 = vector.broadcast %add3A_603 : i32 to vector<16xi32>
    %add3A_605 = arith.addi %add3A_303, %add3A_604 : vector<16xi32>
    %gather3A_606 = tpu.vector_load_idx %arg5[%add3A_605] : memref<2048xf32, #tpu.memory_space<vmem>>[vector<16xi32>], vector<16xf32>,
    %add3A_607 = arith.addf %add3A_602, %gather3A_606 : vector<16xf32>
    %add3A_608 = arith.constant 1549 : i32
    %add3A_609 = vector.broadcast %add3A_608 : i32 to vector<16xi32>
    %add3A_610 = arith.addi %add3A_303, %add3A_609 : vector<16xi32>
    %gather3A_611 = tpu.vector_load_idx %arg5[%add3A_610] : memref<2048xf32, #tpu.memory_space<vmem>>[vector<16xi32>], vector<16xf32>,
    %add3A_612 = arith.addf %add3A_607, %gather3A_611 : vector<16xf32>
    %add3A_613 = arith.constant 1550 : i32
    %add3A_614 = vector.broadcast %add3A_613 : i32 to vector<16xi32>
    %add3A_615 = arith.addi %add3A_303, %add3A_614 : vector<16xi32>
    %gather3A_616 = tpu.vector_load_idx %arg5[%add3A_615] : memref<2048xf32, #tpu.memory_space<vmem>>[vector<16xi32>], vector<16xf32>,
    %add3A_617 = arith.addf %add3A_612, %gather3A_616 : vector<16xf32>
    %add3A_618 = arith.constant 1551 : i32
    %add3A_619 = vector.broadcast %add3A_618 : i32 to vector<16xi32>
    %add3A_620 = arith.addi %add3A_303, %add3A_619 : vector<16xi32>
    %gather3A_621 = tpu.vector_load_idx %arg5[%add3A_620] : memref<2048xf32, #tpu.memory_space<vmem>>[vector<16xi32>], vector<16xf32>,
    %add3A_622 = arith.addf %add3A_617, %gather3A_621 : vector<16xf32>
    %swap3A_623 = arith.constant 0 : i32
    %swap3A_624 = arith.index_cast %swap3A_623 : i32 to index
    %swap3A_625 = arith.constant 0 : index
    %swap3A_626 = tpu.vector_load %arg6[%swap3A_624, %swap3A_625] {strides = array<i32>} : memref<1x32xf32, #tpu.memory_space<vmem>>, vector<16xf32>,
    tpu.vector_store %arg6[%swap3A_624, %swap3A_625], %add3A_622 {strides = array<i32>} : memref<1x32xf32, #tpu.memory_space<vmem>>, vector<16xf32>,
    %broadcast_in_dim3A_627 = arith.constant 0.000000e+00 : f32
    %broadcast_in_dim3A_628 = vector.broadcast %broadcast_in_dim3A_627 : f32 to vector<16xf32>
    %mul3A_629 = arith.constant 16 : i32
    %mul3A_630 = vector.broadcast %mul3A_629 : i32 to vector<16xi32>
    %mul3A_631 = arith.muli %iota3A, %mul3A_630 : vector<16xi32>
    %add3A_632 = arith.constant 256 : i32
    %add3A_633 = vector.broadcast %add3A_632 : i32 to vector<16xi32>
    %add3A_634 = arith.addi %mul3A_631, %add3A_633 : vector<16xi32>
    %add3A_635 = arith.constant 0 : i32
    %add3A_636 = vector.broadcast %add3A_635 : i32 to vector<16xi32>
    %add3A_637 = arith.addi %add3A_634, %add3A_636 : vector<16xi32>
    %gather3A_638 = tpu.vector_load_idx %arg5[%add3A_637] : memref<2048xf32, #tpu.memory_space<vmem>>[vector<16xi32>], vector<16xf32>,
    %add3A_639 = arith.addf %broadcast_in_dim3A_628, %gather3A_638 : vector<16xf32>
    %add3A_640 = arith.constant 1 : i32
    %add3A_641 = vector.broadcast %add3A_640 : i32 to vector<16xi32>
    %add3A_642 = arith.addi %add3A_634, %add3A_641 : vector<16xi32>
    %gather3A_643 = tpu.vector_load_idx %arg5[%add3A_642] : memref<2048xf32, #tpu.memory_space<vmem>>[vector<16xi32>], vector<16xf32>,
    %add3A_644 = arith.addf %add3A_639, %gather3A_643 : vector<16xf32>
    %add3A_645 = arith.constant 2 : i32
    %add3A_646 = vector.broadcast %add3A_645 : i32 to vector<16xi32>
    %add3A_647 = arith.addi %add3A_634, %add3A_646 : vector<16xi32>
    %gather3A_648 = tpu.vector_load_idx %arg5[%add3A_647] : memref<2048xf32, #tpu.memory_space<vmem>>[vector<16xi32>], vector<16xf32>,
    %add3A_649 = arith.addf %add3A_644, %gather3A_648 : vector<16xf32>
    %add3A_650 = arith.constant 3 : i32
    %add3A_651 = vector.broadcast %add3A_650 : i32 to vector<16xi32>
    %add3A_652 = arith.addi %add3A_634, %add3A_651 : vector<16xi32>
    %gather3A_653 = tpu.vector_load_idx %arg5[%add3A_652] : memref<2048xf32, #tpu.memory_space<vmem>>[vector<16xi32>], vector<16xf32>,
    %add3A_654 = arith.addf %add3A_649, %gather3A_653 : vector<16xf32>
    %add3A_655 = arith.constant 4 : i32
    %add3A_656 = vector.broadcast %add3A_655 : i32 to vector<16xi32>
    %add3A_657 = arith.addi %add3A_634, %add3A_656 : vector<16xi32>
    %gather3A_658 = tpu.vector_load_idx %arg5[%add3A_657] : memref<2048xf32, #tpu.memory_space<vmem>>[vector<16xi32>], vector<16xf32>,
    %add3A_659 = arith.addf %add3A_654, %gather3A_658 : vector<16xf32>
    %add3A_660 = arith.constant 5 : i32
    %add3A_661 = vector.broadcast %add3A_660 : i32 to vector<16xi32>
    %add3A_662 = arith.addi %add3A_634, %add3A_661 : vector<16xi32>
    %gather3A_663 = tpu.vector_load_idx %arg5[%add3A_662] : memref<2048xf32, #tpu.memory_space<vmem>>[vector<16xi32>], vector<16xf32>,
    %add3A_664 = arith.addf %add3A_659, %gather3A_663 : vector<16xf32>
    %add3A_665 = arith.constant 6 : i32
    %add3A_666 = vector.broadcast %add3A_665 : i32 to vector<16xi32>
    %add3A_667 = arith.addi %add3A_634, %add3A_666 : vector<16xi32>
    %gather3A_668 = tpu.vector_load_idx %arg5[%add3A_667] : memref<2048xf32, #tpu.memory_space<vmem>>[vector<16xi32>], vector<16xf32>,
    %add3A_669 = arith.addf %add3A_664, %gather3A_668 : vector<16xf32>
    %add3A_670 = arith.constant 7 : i32
    %add3A_671 = vector.broadcast %add3A_670 : i32 to vector<16xi32>
    %add3A_672 = arith.addi %add3A_634, %add3A_671 : vector<16xi32>
    %gather3A_673 = tpu.vector_load_idx %arg5[%add3A_672] : memref<2048xf32, #tpu.memory_space<vmem>>[vector<16xi32>], vector<16xf32>,
    %add3A_674 = arith.addf %add3A_669, %gather3A_673 : vector<16xf32>
    %add3A_675 = arith.constant 8 : i32
    %add3A_676 = vector.broadcast %add3A_675 : i32 to vector<16xi32>
    %add3A_677 = arith.addi %add3A_634, %add3A_676 : vector<16xi32>
    %gather3A_678 = tpu.vector_load_idx %arg5[%add3A_677] : memref<2048xf32, #tpu.memory_space<vmem>>[vector<16xi32>], vector<16xf32>,
    %add3A_679 = arith.addf %add3A_674, %gather3A_678 : vector<16xf32>
    %add3A_680 = arith.constant 9 : i32
    %add3A_681 = vector.broadcast %add3A_680 : i32 to vector<16xi32>
    %add3A_682 = arith.addi %add3A_634, %add3A_681 : vector<16xi32>
    %gather3A_683 = tpu.vector_load_idx %arg5[%add3A_682] : memref<2048xf32, #tpu.memory_space<vmem>>[vector<16xi32>], vector<16xf32>,
    %add3A_684 = arith.addf %add3A_679, %gather3A_683 : vector<16xf32>
    %add3A_685 = arith.constant 10 : i32
    %add3A_686 = vector.broadcast %add3A_685 : i32 to vector<16xi32>
    %add3A_687 = arith.addi %add3A_634, %add3A_686 : vector<16xi32>
    %gather3A_688 = tpu.vector_load_idx %arg5[%add3A_687] : memref<2048xf32, #tpu.memory_space<vmem>>[vector<16xi32>], vector<16xf32>,
    %add3A_689 = arith.addf %add3A_684, %gather3A_688 : vector<16xf32>
    %add3A_690 = arith.constant 11 : i32
    %add3A_691 = vector.broadcast %add3A_690 : i32 to vector<16xi32>
    %add3A_692 = arith.addi %add3A_634, %add3A_691 : vector<16xi32>
    %gather3A_693 = tpu.vector_load_idx %arg5[%add3A_692] : memref<2048xf32, #tpu.memory_space<vmem>>[vector<16xi32>], vector<16xf32>,
    %add3A_694 = arith.addf %add3A_689, %gather3A_693 : vector<16xf32>
    %add3A_695 = arith.constant 12 : i32
    %add3A_696 = vector.broadcast %add3A_695 : i32 to vector<16xi32>
    %add3A_697 = arith.addi %add3A_634, %add3A_696 : vector<16xi32>
    %gather3A_698 = tpu.vector_load_idx %arg5[%add3A_697] : memref<2048xf32, #tpu.memory_space<vmem>>[vector<16xi32>], vector<16xf32>,
    %add3A_699 = arith.addf %add3A_694, %gather3A_698 : vector<16xf32>
    %add3A_700 = arith.constant 13 : i32
    %add3A_701 = vector.broadcast %add3A_700 : i32 to vector<16xi32>
    %add3A_702 = arith.addi %add3A_634, %add3A_701 : vector<16xi32>
    %gather3A_703 = tpu.vector_load_idx %arg5[%add3A_702] : memref<2048xf32, #tpu.memory_space<vmem>>[vector<16xi32>], vector<16xf32>,
    %add3A_704 = arith.addf %add3A_699, %gather3A_703 : vector<16xf32>
    %add3A_705 = arith.constant 14 : i32
    %add3A_706 = vector.broadcast %add3A_705 : i32 to vector<16xi32>
    %add3A_707 = arith.addi %add3A_634, %add3A_706 : vector<16xi32>
    %gather3A_708 = tpu.vector_load_idx %arg5[%add3A_707] : memref<2048xf32, #tpu.memory_space<vmem>>[vector<16xi32>], vector<16xf32>,
    %add3A_709 = arith.addf %add3A_704, %gather3A_708 : vector<16xf32>
    %add3A_710 = arith.constant 15 : i32
    %add3A_711 = vector.broadcast %add3A_710 : i32 to vector<16xi32>
    %add3A_712 = arith.addi %add3A_634, %add3A_711 : vector<16xi32>
    %gather3A_713 = tpu.vector_load_idx %arg5[%add3A_712] : memref<2048xf32, #tpu.memory_space<vmem>>[vector<16xi32>], vector<16xf32>,
    %add3A_714 = arith.addf %add3A_709, %gather3A_713 : vector<16xf32>
    %add3A_715 = arith.constant 512 : i32
    %add3A_716 = vector.broadcast %add3A_715 : i32 to vector<16xi32>
    %add3A_717 = arith.addi %add3A_634, %add3A_716 : vector<16xi32>
    %gather3A_718 = tpu.vector_load_idx %arg5[%add3A_717] : memref<2048xf32, #tpu.memory_space<vmem>>[vector<16xi32>], vector<16xf32>,
    %add3A_719 = arith.addf %add3A_714, %gather3A_718 : vector<16xf32>
    %add3A_720 = arith.constant 513 : i32
    %add3A_721 = vector.broadcast %add3A_720 : i32 to vector<16xi32>
    %add3A_722 = arith.addi %add3A_634, %add3A_721 : vector<16xi32>
    %gather3A_723 = tpu.vector_load_idx %arg5[%add3A_722] : memref<2048xf32, #tpu.memory_space<vmem>>[vector<16xi32>], vector<16xf32>,
    %add3A_724 = arith.addf %add3A_719, %gather3A_723 : vector<16xf32>
    %add3A_725 = arith.constant 514 : i32
    %add3A_726 = vector.broadcast %add3A_725 : i32 to vector<16xi32>
    %add3A_727 = arith.addi %add3A_634, %add3A_726 : vector<16xi32>
    %gather3A_728 = tpu.vector_load_idx %arg5[%add3A_727] : memref<2048xf32, #tpu.memory_space<vmem>>[vector<16xi32>], vector<16xf32>,
    %add3A_729 = arith.addf %add3A_724, %gather3A_728 : vector<16xf32>
    %add3A_730 = arith.constant 515 : i32
    %add3A_731 = vector.broadcast %add3A_730 : i32 to vector<16xi32>
    %add3A_732 = arith.addi %add3A_634, %add3A_731 : vector<16xi32>
    %gather3A_733 = tpu.vector_load_idx %arg5[%add3A_732] : memref<2048xf32, #tpu.memory_space<vmem>>[vector<16xi32>], vector<16xf32>,
    %add3A_734 = arith.addf %add3A_729, %gather3A_733 : vector<16xf32>
    %add3A_735 = arith.constant 516 : i32
    %add3A_736 = vector.broadcast %add3A_735 : i32 to vector<16xi32>
    %add3A_737 = arith.addi %add3A_634, %add3A_736 : vector<16xi32>
    %gather3A_738 = tpu.vector_load_idx %arg5[%add3A_737] : memref<2048xf32, #tpu.memory_space<vmem>>[vector<16xi32>], vector<16xf32>,
    %add3A_739 = arith.addf %add3A_734, %gather3A_738 : vector<16xf32>
    %add3A_740 = arith.constant 517 : i32
    %add3A_741 = vector.broadcast %add3A_740 : i32 to vector<16xi32>
    %add3A_742 = arith.addi %add3A_634, %add3A_741 : vector<16xi32>
    %gather3A_743 = tpu.vector_load_idx %arg5[%add3A_742] : memref<2048xf32, #tpu.memory_space<vmem>>[vector<16xi32>], vector<16xf32>,
    %add3A_744 = arith.addf %add3A_739, %gather3A_743 : vector<16xf32>
    %add3A_745 = arith.constant 518 : i32
    %add3A_746 = vector.broadcast %add3A_745 : i32 to vector<16xi32>
    %add3A_747 = arith.addi %add3A_634, %add3A_746 : vector<16xi32>
    %gather3A_748 = tpu.vector_load_idx %arg5[%add3A_747] : memref<2048xf32, #tpu.memory_space<vmem>>[vector<16xi32>], vector<16xf32>,
    %add3A_749 = arith.addf %add3A_744, %gather3A_748 : vector<16xf32>
    %add3A_750 = arith.constant 519 : i32
    %add3A_751 = vector.broadcast %add3A_750 : i32 to vector<16xi32>
    %add3A_752 = arith.addi %add3A_634, %add3A_751 : vector<16xi32>
    %gather3A_753 = tpu.vector_load_idx %arg5[%add3A_752] : memref<2048xf32, #tpu.memory_space<vmem>>[vector<16xi32>], vector<16xf32>,
    %add3A_754 = arith.addf %add3A_749, %gather3A_753 : vector<16xf32>
    %add3A_755 = arith.constant 520 : i32
    %add3A_756 = vector.broadcast %add3A_755 : i32 to vector<16xi32>
    %add3A_757 = arith.addi %add3A_634, %add3A_756 : vector<16xi32>
    %gather3A_758 = tpu.vector_load_idx %arg5[%add3A_757] : memref<2048xf32, #tpu.memory_space<vmem>>[vector<16xi32>], vector<16xf32>,
    %add3A_759 = arith.addf %add3A_754, %gather3A_758 : vector<16xf32>
    %add3A_760 = arith.constant 521 : i32
    %add3A_761 = vector.broadcast %add3A_760 : i32 to vector<16xi32>
    %add3A_762 = arith.addi %add3A_634, %add3A_761 : vector<16xi32>
    %gather3A_763 = tpu.vector_load_idx %arg5[%add3A_762] : memref<2048xf32, #tpu.memory_space<vmem>>[vector<16xi32>], vector<16xf32>,
    %add3A_764 = arith.addf %add3A_759, %gather3A_763 : vector<16xf32>
    %add3A_765 = arith.constant 522 : i32
    %add3A_766 = vector.broadcast %add3A_765 : i32 to vector<16xi32>
    %add3A_767 = arith.addi %add3A_634, %add3A_766 : vector<16xi32>
    %gather3A_768 = tpu.vector_load_idx %arg5[%add3A_767] : memref<2048xf32, #tpu.memory_space<vmem>>[vector<16xi32>], vector<16xf32>,
    %add3A_769 = arith.addf %add3A_764, %gather3A_768 : vector<16xf32>
    %add3A_770 = arith.constant 523 : i32
    %add3A_771 = vector.broadcast %add3A_770 : i32 to vector<16xi32>
    %add3A_772 = arith.addi %add3A_634, %add3A_771 : vector<16xi32>
    %gather3A_773 = tpu.vector_load_idx %arg5[%add3A_772] : memref<2048xf32, #tpu.memory_space<vmem>>[vector<16xi32>], vector<16xf32>,
    %add3A_774 = arith.addf %add3A_769, %gather3A_773 : vector<16xf32>
    %add3A_775 = arith.constant 524 : i32
    %add3A_776 = vector.broadcast %add3A_775 : i32 to vector<16xi32>
    %add3A_777 = arith.addi %add3A_634, %add3A_776 : vector<16xi32>
    %gather3A_778 = tpu.vector_load_idx %arg5[%add3A_777] : memref<2048xf32, #tpu.memory_space<vmem>>[vector<16xi32>], vector<16xf32>,
    %add3A_779 = arith.addf %add3A_774, %gather3A_778 : vector<16xf32>
    %add3A_780 = arith.constant 525 : i32
    %add3A_781 = vector.broadcast %add3A_780 : i32 to vector<16xi32>
    %add3A_782 = arith.addi %add3A_634, %add3A_781 : vector<16xi32>
    %gather3A_783 = tpu.vector_load_idx %arg5[%add3A_782] : memref<2048xf32, #tpu.memory_space<vmem>>[vector<16xi32>], vector<16xf32>,
    %add3A_784 = arith.addf %add3A_779, %gather3A_783 : vector<16xf32>
    %add3A_785 = arith.constant 526 : i32
    %add3A_786 = vector.broadcast %add3A_785 : i32 to vector<16xi32>
    %add3A_787 = arith.addi %add3A_634, %add3A_786 : vector<16xi32>
    %gather3A_788 = tpu.vector_load_idx %arg5[%add3A_787] : memref<2048xf32, #tpu.memory_space<vmem>>[vector<16xi32>], vector<16xf32>,
    %add3A_789 = arith.addf %add3A_784, %gather3A_788 : vector<16xf32>
    %add3A_790 = arith.constant 527 : i32
    %add3A_791 = vector.broadcast %add3A_790 : i32 to vector<16xi32>
    %add3A_792 = arith.addi %add3A_634, %add3A_791 : vector<16xi32>
    %gather3A_793 = tpu.vector_load_idx %arg5[%add3A_792] : memref<2048xf32, #tpu.memory_space<vmem>>[vector<16xi32>], vector<16xf32>,
    %add3A_794 = arith.addf %add3A_789, %gather3A_793 : vector<16xf32>
    %add3A_795 = arith.constant 1024 : i32
    %add3A_796 = vector.broadcast %add3A_795 : i32 to vector<16xi32>
    %add3A_797 = arith.addi %add3A_634, %add3A_796 : vector<16xi32>
    %gather3A_798 = tpu.vector_load_idx %arg5[%add3A_797] : memref<2048xf32, #tpu.memory_space<vmem>>[vector<16xi32>], vector<16xf32>,
    %add3A_799 = arith.addf %add3A_794, %gather3A_798 : vector<16xf32>
    %add3A_800 = arith.constant 1025 : i32
    %add3A_801 = vector.broadcast %add3A_800 : i32 to vector<16xi32>
    %add3A_802 = arith.addi %add3A_634, %add3A_801 : vector<16xi32>
    %gather3A_803 = tpu.vector_load_idx %arg5[%add3A_802] : memref<2048xf32, #tpu.memory_space<vmem>>[vector<16xi32>], vector<16xf32>,
    %add3A_804 = arith.addf %add3A_799, %gather3A_803 : vector<16xf32>
    %add3A_805 = arith.constant 1026 : i32
    %add3A_806 = vector.broadcast %add3A_805 : i32 to vector<16xi32>
    %add3A_807 = arith.addi %add3A_634, %add3A_806 : vector<16xi32>
    %gather3A_808 = tpu.vector_load_idx %arg5[%add3A_807] : memref<2048xf32, #tpu.memory_space<vmem>>[vector<16xi32>], vector<16xf32>,
    %add3A_809 = arith.addf %add3A_804, %gather3A_808 : vector<16xf32>
    %add3A_810 = arith.constant 1027 : i32
    %add3A_811 = vector.broadcast %add3A_810 : i32 to vector<16xi32>
    %add3A_812 = arith.addi %add3A_634, %add3A_811 : vector<16xi32>
    %gather3A_813 = tpu.vector_load_idx %arg5[%add3A_812] : memref<2048xf32, #tpu.memory_space<vmem>>[vector<16xi32>], vector<16xf32>,
    %add3A_814 = arith.addf %add3A_809, %gather3A_813 : vector<16xf32>
    %add3A_815 = arith.constant 1028 : i32
    %add3A_816 = vector.broadcast %add3A_815 : i32 to vector<16xi32>
    %add3A_817 = arith.addi %add3A_634, %add3A_816 : vector<16xi32>
    %gather3A_818 = tpu.vector_load_idx %arg5[%add3A_817] : memref<2048xf32, #tpu.memory_space<vmem>>[vector<16xi32>], vector<16xf32>,
    %add3A_819 = arith.addf %add3A_814, %gather3A_818 : vector<16xf32>
    %add3A_820 = arith.constant 1029 : i32
    %add3A_821 = vector.broadcast %add3A_820 : i32 to vector<16xi32>
    %add3A_822 = arith.addi %add3A_634, %add3A_821 : vector<16xi32>
    %gather3A_823 = tpu.vector_load_idx %arg5[%add3A_822] : memref<2048xf32, #tpu.memory_space<vmem>>[vector<16xi32>], vector<16xf32>,
    %add3A_824 = arith.addf %add3A_819, %gather3A_823 : vector<16xf32>
    %add3A_825 = arith.constant 1030 : i32
    %add3A_826 = vector.broadcast %add3A_825 : i32 to vector<16xi32>
    %add3A_827 = arith.addi %add3A_634, %add3A_826 : vector<16xi32>
    %gather3A_828 = tpu.vector_load_idx %arg5[%add3A_827] : memref<2048xf32, #tpu.memory_space<vmem>>[vector<16xi32>], vector<16xf32>,
    %add3A_829 = arith.addf %add3A_824, %gather3A_828 : vector<16xf32>
    %add3A_830 = arith.constant 1031 : i32
    %add3A_831 = vector.broadcast %add3A_830 : i32 to vector<16xi32>
    %add3A_832 = arith.addi %add3A_634, %add3A_831 : vector<16xi32>
    %gather3A_833 = tpu.vector_load_idx %arg5[%add3A_832] : memref<2048xf32, #tpu.memory_space<vmem>>[vector<16xi32>], vector<16xf32>,
    %add3A_834 = arith.addf %add3A_829, %gather3A_833 : vector<16xf32>
    %add3A_835 = arith.constant 1032 : i32
    %add3A_836 = vector.broadcast %add3A_835 : i32 to vector<16xi32>
    %add3A_837 = arith.addi %add3A_634, %add3A_836 : vector<16xi32>
    %gather3A_838 = tpu.vector_load_idx %arg5[%add3A_837] : memref<2048xf32, #tpu.memory_space<vmem>>[vector<16xi32>], vector<16xf32>,
    %add3A_839 = arith.addf %add3A_834, %gather3A_838 : vector<16xf32>
    %add3A_840 = arith.constant 1033 : i32
    %add3A_841 = vector.broadcast %add3A_840 : i32 to vector<16xi32>
    %add3A_842 = arith.addi %add3A_634, %add3A_841 : vector<16xi32>
    %gather3A_843 = tpu.vector_load_idx %arg5[%add3A_842] : memref<2048xf32, #tpu.memory_space<vmem>>[vector<16xi32>], vector<16xf32>,
    %add3A_844 = arith.addf %add3A_839, %gather3A_843 : vector<16xf32>
    %add3A_845 = arith.constant 1034 : i32
    %add3A_846 = vector.broadcast %add3A_845 : i32 to vector<16xi32>
    %add3A_847 = arith.addi %add3A_634, %add3A_846 : vector<16xi32>
    %gather3A_848 = tpu.vector_load_idx %arg5[%add3A_847] : memref<2048xf32, #tpu.memory_space<vmem>>[vector<16xi32>], vector<16xf32>,
    %add3A_849 = arith.addf %add3A_844, %gather3A_848 : vector<16xf32>
    %add3A_850 = arith.constant 1035 : i32
    %add3A_851 = vector.broadcast %add3A_850 : i32 to vector<16xi32>
    %add3A_852 = arith.addi %add3A_634, %add3A_851 : vector<16xi32>
    %gather3A_853 = tpu.vector_load_idx %arg5[%add3A_852] : memref<2048xf32, #tpu.memory_space<vmem>>[vector<16xi32>], vector<16xf32>,
    %add3A_854 = arith.addf %add3A_849, %gather3A_853 : vector<16xf32>
    %add3A_855 = arith.constant 1036 : i32
    %add3A_856 = vector.broadcast %add3A_855 : i32 to vector<16xi32>
    %add3A_857 = arith.addi %add3A_634, %add3A_856 : vector<16xi32>
    %gather3A_858 = tpu.vector_load_idx %arg5[%add3A_857] : memref<2048xf32, #tpu.memory_space<vmem>>[vector<16xi32>], vector<16xf32>,
    %add3A_859 = arith.addf %add3A_854, %gather3A_858 : vector<16xf32>
    %add3A_860 = arith.constant 1037 : i32
    %add3A_861 = vector.broadcast %add3A_860 : i32 to vector<16xi32>
    %add3A_862 = arith.addi %add3A_634, %add3A_861 : vector<16xi32>
    %gather3A_863 = tpu.vector_load_idx %arg5[%add3A_862] : memref<2048xf32, #tpu.memory_space<vmem>>[vector<16xi32>], vector<16xf32>,
    %add3A_864 = arith.addf %add3A_859, %gather3A_863 : vector<16xf32>
    %add3A_865 = arith.constant 1038 : i32
    %add3A_866 = vector.broadcast %add3A_865 : i32 to vector<16xi32>
    %add3A_867 = arith.addi %add3A_634, %add3A_866 : vector<16xi32>
    %gather3A_868 = tpu.vector_load_idx %arg5[%add3A_867] : memref<2048xf32, #tpu.memory_space<vmem>>[vector<16xi32>], vector<16xf32>,
    %add3A_869 = arith.addf %add3A_864, %gather3A_868 : vector<16xf32>
    %add3A_870 = arith.constant 1039 : i32
    %add3A_871 = vector.broadcast %add3A_870 : i32 to vector<16xi32>
    %add3A_872 = arith.addi %add3A_634, %add3A_871 : vector<16xi32>
    %gather3A_873 = tpu.vector_load_idx %arg5[%add3A_872] : memref<2048xf32, #tpu.memory_space<vmem>>[vector<16xi32>], vector<16xf32>,
    %add3A_874 = arith.addf %add3A_869, %gather3A_873 : vector<16xf32>
    %add3A_875 = arith.constant 1536 : i32
    %add3A_876 = vector.broadcast %add3A_875 : i32 to vector<16xi32>
    %add3A_877 = arith.addi %add3A_634, %add3A_876 : vector<16xi32>
    %gather3A_878 = tpu.vector_load_idx %arg5[%add3A_877] : memref<2048xf32, #tpu.memory_space<vmem>>[vector<16xi32>], vector<16xf32>,
    %add3A_879 = arith.addf %add3A_874, %gather3A_878 : vector<16xf32>
    %add3A_880 = arith.constant 1537 : i32
    %add3A_881 = vector.broadcast %add3A_880 : i32 to vector<16xi32>
    %add3A_882 = arith.addi %add3A_634, %add3A_881 : vector<16xi32>
    %gather3A_883 = tpu.vector_load_idx %arg5[%add3A_882] : memref<2048xf32, #tpu.memory_space<vmem>>[vector<16xi32>], vector<16xf32>,
    %add3A_884 = arith.addf %add3A_879, %gather3A_883 : vector<16xf32>
    %add3A_885 = arith.constant 1538 : i32
    %add3A_886 = vector.broadcast %add3A_885 : i32 to vector<16xi32>
    %add3A_887 = arith.addi %add3A_634, %add3A_886 : vector<16xi32>
    %gather3A_888 = tpu.vector_load_idx %arg5[%add3A_887] : memref<2048xf32, #tpu.memory_space<vmem>>[vector<16xi32>], vector<16xf32>,
    %add3A_889 = arith.addf %add3A_884, %gather3A_888 : vector<16xf32>
    %add3A_890 = arith.constant 1539 : i32
    %add3A_891 = vector.broadcast %add3A_890 : i32 to vector<16xi32>
    %add3A_892 = arith.addi %add3A_634, %add3A_891 : vector<16xi32>
    %gather3A_893 = tpu.vector_load_idx %arg5[%add3A_892] : memref<2048xf32, #tpu.memory_space<vmem>>[vector<16xi32>], vector<16xf32>,
    %add3A_894 = arith.addf %add3A_889, %gather3A_893 : vector<16xf32>
    %add3A_895 = arith.constant 1540 : i32
    %add3A_896 = vector.broadcast %add3A_895 : i32 to vector<16xi32>
    %add3A_897 = arith.addi %add3A_634, %add3A_896 : vector<16xi32>
    %gather3A_898 = tpu.vector_load_idx %arg5[%add3A_897] : memref<2048xf32, #tpu.memory_space<vmem>>[vector<16xi32>], vector<16xf32>,
    %add3A_899 = arith.addf %add3A_894, %gather3A_898 : vector<16xf32>
    %add3A_900 = arith.constant 1541 : i32
    %add3A_901 = vector.broadcast %add3A_900 : i32 to vector<16xi32>
    %add3A_902 = arith.addi %add3A_634, %add3A_901 : vector<16xi32>
    %gather3A_903 = tpu.vector_load_idx %arg5[%add3A_902] : memref<2048xf32, #tpu.memory_space<vmem>>[vector<16xi32>], vector<16xf32>,
    %add3A_904 = arith.addf %add3A_899, %gather3A_903 : vector<16xf32>
    %add3A_905 = arith.constant 1542 : i32
    %add3A_906 = vector.broadcast %add3A_905 : i32 to vector<16xi32>
    %add3A_907 = arith.addi %add3A_634, %add3A_906 : vector<16xi32>
    %gather3A_908 = tpu.vector_load_idx %arg5[%add3A_907] : memref<2048xf32, #tpu.memory_space<vmem>>[vector<16xi32>], vector<16xf32>,
    %add3A_909 = arith.addf %add3A_904, %gather3A_908 : vector<16xf32>
    %add3A_910 = arith.constant 1543 : i32
    %add3A_911 = vector.broadcast %add3A_910 : i32 to vector<16xi32>
    %add3A_912 = arith.addi %add3A_634, %add3A_911 : vector<16xi32>
    %gather3A_913 = tpu.vector_load_idx %arg5[%add3A_912] : memref<2048xf32, #tpu.memory_space<vmem>>[vector<16xi32>], vector<16xf32>,
    %add3A_914 = arith.addf %add3A_909, %gather3A_913 : vector<16xf32>
    %add3A_915 = arith.constant 1544 : i32
    %add3A_916 = vector.broadcast %add3A_915 : i32 to vector<16xi32>
    %add3A_917 = arith.addi %add3A_634, %add3A_916 : vector<16xi32>
    %gather3A_918 = tpu.vector_load_idx %arg5[%add3A_917] : memref<2048xf32, #tpu.memory_space<vmem>>[vector<16xi32>], vector<16xf32>,
    %add3A_919 = arith.addf %add3A_914, %gather3A_918 : vector<16xf32>
    %add3A_920 = arith.constant 1545 : i32
    %add3A_921 = vector.broadcast %add3A_920 : i32 to vector<16xi32>
    %add3A_922 = arith.addi %add3A_634, %add3A_921 : vector<16xi32>
    %gather3A_923 = tpu.vector_load_idx %arg5[%add3A_922] : memref<2048xf32, #tpu.memory_space<vmem>>[vector<16xi32>], vector<16xf32>,
    %add3A_924 = arith.addf %add3A_919, %gather3A_923 : vector<16xf32>
    %add3A_925 = arith.constant 1546 : i32
    %add3A_926 = vector.broadcast %add3A_925 : i32 to vector<16xi32>
    %add3A_927 = arith.addi %add3A_634, %add3A_926 : vector<16xi32>
    %gather3A_928 = tpu.vector_load_idx %arg5[%add3A_927] : memref<2048xf32, #tpu.memory_space<vmem>>[vector<16xi32>], vector<16xf32>,
    %add3A_929 = arith.addf %add3A_924, %gather3A_928 : vector<16xf32>
    %add3A_930 = arith.constant 1547 : i32
    %add3A_931 = vector.broadcast %add3A_930 : i32 to vector<16xi32>
    %add3A_932 = arith.addi %add3A_634, %add3A_931 : vector<16xi32>
    %gather3A_933 = tpu.vector_load_idx %arg5[%add3A_932] : memref<2048xf32, #tpu.memory_space<vmem>>[vector<16xi32>], vector<16xf32>,
    %add3A_934 = arith.addf %add3A_929, %gather3A_933 : vector<16xf32>
    %add3A_935 = arith.constant 1548 : i32
    %add3A_936 = vector.broadcast %add3A_935 : i32 to vector<16xi32>
    %add3A_937 = arith.addi %add3A_634, %add3A_936 : vector<16xi32>
    %gather3A_938 = tpu.vector_load_idx %arg5[%add3A_937] : memref<2048xf32, #tpu.memory_space<vmem>>[vector<16xi32>], vector<16xf32>,
    %add3A_939 = arith.addf %add3A_934, %gather3A_938 : vector<16xf32>
    %add3A_940 = arith.constant 1549 : i32
    %add3A_941 = vector.broadcast %add3A_940 : i32 to vector<16xi32>
    %add3A_942 = arith.addi %add3A_634, %add3A_941 : vector<16xi32>
    %gather3A_943 = tpu.vector_load_idx %arg5[%add3A_942] : memref<2048xf32, #tpu.memory_space<vmem>>[vector<16xi32>], vector<16xf32>,
    %add3A_944 = arith.addf %add3A_939, %gather3A_943 : vector<16xf32>
    %add3A_945 = arith.constant 1550 : i32
    %add3A_946 = vector.broadcast %add3A_945 : i32 to vector<16xi32>
    %add3A_947 = arith.addi %add3A_634, %add3A_946 : vector<16xi32>
    %gather3A_948 = tpu.vector_load_idx %arg5[%add3A_947] : memref<2048xf32, #tpu.memory_space<vmem>>[vector<16xi32>], vector<16xf32>,
    %add3A_949 = arith.addf %add3A_944, %gather3A_948 : vector<16xf32>
    %add3A_950 = arith.constant 1551 : i32
    %add3A_951 = vector.broadcast %add3A_950 : i32 to vector<16xi32>
    %add3A_952 = arith.addi %add3A_634, %add3A_951 : vector<16xi32>
    %gather3A_953 = tpu.vector_load_idx %arg5[%add3A_952] : memref<2048xf32, #tpu.memory_space<vmem>>[vector<16xi32>], vector<16xf32>,
    %add3A_954 = arith.addf %add3A_949, %gather3A_953 : vector<16xf32>
    %swap3A_955 = arith.constant 0 : i32
    %swap3A_956 = arith.index_cast %swap3A_955 : i32 to index
    %swap3A_957 = arith.constant 16 : index
    %swap3A_958 = tpu.vector_load %arg6[%swap3A_956, %swap3A_957] {strides = array<i32>} : memref<1x32xf32, #tpu.memory_space<vmem>>, vector<16xf32>,
    tpu.vector_store %arg6[%swap3A_956, %swap3A_957], %add3A_954 {strides = array<i32>} : memref<1x32xf32, #tpu.memory_space<vmem>>, vector<16xf32>,
    "tpu.region"() ({
      %run_scoped3A = tpu.sem_alloc : memref<!tpu.dma_semaphore, #tpu.memory_space<semaphore_mem>>
      %dma_start3A = arith.constant 0 : i32
      %dma_start3A_959 = tpu.memref_slice %arg3[%add3A, %dma_start3A] : memref<32x32xf32, #tpu.memory_space<hbm>> -> memref<1x32xf32, #tpu.memory_space<hbm>>
      %dma_start3A_960 = arith.constant 0 : i32
      %dma_start3A_961 = tpu.memref_slice %arg3[%add3A, %dma_start3A_960] : memref<32x32xf32, #tpu.memory_space<hbm>> -> memref<1x32xf32, #tpu.memory_space<hbm>>
      tpu.enqueue_dma source(%arg6 : memref<1x32xf32, #tpu.memory_space<vmem>>) target(%dma_start3A_961 : memref<1x32xf32, #tpu.memory_space<hbm>>) target_semaphore(%run_scoped3A : memref<!tpu.dma_semaphore, #tpu.memory_space<semaphore_mem>>)
      %dma_wait3A = arith.constant 0 : i32
      %dma_wait3A_962 = tpu.memref_slice %arg3[%add3A, %dma_wait3A] : memref<32x32xf32, #tpu.memory_space<hbm>> -> memref<1x32xf32, #tpu.memory_space<hbm>>
      %dma_wait3A_963 = arith.constant 0 : i32
      %dma_wait3A_964 = tpu.memref_slice %arg3[%add3A, %dma_wait3A_963] : memref<32x32xf32, #tpu.memory_space<hbm>> -> memref<1x32xf32, #tpu.memory_space<hbm>>
      tpu.wait_dma2 semaphore(%run_scoped3A : memref<!tpu.dma_semaphore, #tpu.memory_space<semaphore_mem>>) src(%arg6 : memref<1x32xf32, #tpu.memory_space<vmem>>) dst(%dma_wait3A_964 : memref<1x32xf32, #tpu.memory_space<hbm>>)
      tpu.yield
    }) : () -> ()
    return
  }
}

module attributes {stable_mosaic.version = 14 : i64} {
  func.func @_combine_body(%arg0: memref<19x1x1xf32, #tpu.memory_space<vmem>>, %arg1: memref<32x32xf32, #tpu.memory_space<vmem>>, %arg2: memref<1x1xf32, #tpu.memory_space<vmem>>) attributes {dimension_semantics = [], scalar_prefetch = 0 : i64, scratch_operands = 0 : i64, tpu.core_type = #tpu.core_type<tc>} {
    %get3A = arith.constant 0 : index
    %get3A_0 = arith.constant 0 : index
    %get3A_1 = arith.constant 0 : index
    %get3A_2 = vector.load %arg0[%get3A, %get3A_0, %get3A_1] : memref<19x1x1xf32, #tpu.memory_space<vmem>>, vector<19x1x1xf32>
    %get3A_3 = arith.constant 0 : index
    %get3A_4 = arith.constant 0 : index
    %get3A_5 = vector.load %arg1[%get3A_3, %get3A_4] : memref<32x32xf32, #tpu.memory_space<vmem>>, vector<32x32xf32>
    %reduce_sum3A = arith.constant dense<0.000000e+00> : vector<32xf32>
    %reduce_sum3A_6 = vector.multi_reduction <add>, %get3A_5, %reduce_sum3A [0] : vector<32x32xf32> to vector<32xf32>
    %broadcast_in_dim3A = vector.shape_cast %reduce_sum3A_6 : vector<32xf32> to vector<1x32xf32>
    %mul3A = arith.constant -0.00100050028 : f32
    %mul3A_7 = vector.broadcast %mul3A : f32 to vector<1x32xf32>
    %mul3A_8 = arith.mulf %broadcast_in_dim3A, %mul3A_7 : vector<1x32xf32>
    %exp3A = math.exp %mul3A_8 : vector<1x32xf32>
    %gt3A = arith.constant 0.000000e+00 : f32
    %gt3A_9 = vector.broadcast %gt3A : f32 to vector<1x32xf32>
    %gt3A_10 = arith.cmpf ogt, %broadcast_in_dim3A, %gt3A_9 : vector<1x32xf32>
    %sub3A = arith.constant 1.000000e+00 : f32
    %sub3A_11 = vector.broadcast %sub3A : f32 to vector<1x32xf32>
    %sub3A_12 = arith.subf %sub3A_11, %exp3A : vector<1x32xf32>
    %div3A = arith.constant 1.000000e-03 : f32
    %div3A_13 = vector.broadcast %div3A : f32 to vector<1x32xf32>
    %div3A_14 = arith.divf %div3A_13, %sub3A_12 : vector<1x32xf32>
    %jit3A = arith.constant 0.000000e+00 : f32
    %broadcast_in_dim3A_15 = vector.broadcast %jit3A : f32 to vector<1x32xf32>
    %select_n3A = arith.select %gt3A_10, %div3A_14, %broadcast_in_dim3A_15 : vector<1x32xi1>, vector<1x32xf32>
    %mul3A_16 = arith.mulf %select_n3A, %broadcast_in_dim3A : vector<1x32xf32>
    %reduce_sum3A_17 = vector.shape_cast %mul3A_16 : vector<1x32xf32> to vector<1x1x32xf32>
    %reduce_sum3A_18 = arith.constant dense<0.000000e+00> : vector<1xf32>
    %reduce_sum3A_19 = vector.multi_reduction <add>, %reduce_sum3A_17, %reduce_sum3A_18 [1, 2] : vector<1x1x32xf32> to vector<1xf32>
    %reduce_sum3A_20 = vector.shape_cast %reduce_sum3A_19 : vector<1xf32> to vector<1x1x1xf32>
    %reduce_sum3A_21 = vector.extract %reduce_sum3A_20[0, 0, 0] : f32 from vector<1x1x1xf32>
    %broadcast_in_dim3A_22 = vector.broadcast %reduce_sum3A_21 : f32 to vector<1x1xf32>
    %squeeze3A = vector.shape_cast %get3A_2 : vector<19x1x1xf32> to vector<19x1xf32>
    %mul3A_23 = vector.broadcast %squeeze3A : vector<19x1xf32> to vector<19x32xf32>
    %mul3A_24 = vector.broadcast %select_n3A : vector<1x32xf32> to vector<19x32xf32>
    %mul3A_25 = arith.mulf %mul3A_23, %mul3A_24 : vector<19x32xf32>
    %iota3A = tpu.iota {dimensions = array<i32: 0>} : vector<19x32xi32>
    %iota3A_26 = tpu.iota {dimensions = array<i32: 1>} : vector<19x32xi32>
    %eq3A = arith.cmpi eq, %iota3A, %iota3A_26 : vector<19x32xi32>
    %jit3A_27 = arith.constant 0.000000e+00 : f32
    %broadcast_in_dim3A_28 = vector.broadcast %jit3A_27 : f32 to vector<19x32xf32>
    %select_n3A_29 = arith.select %eq3A, %mul3A_25, %broadcast_in_dim3A_28 : vector<19x32xi1>, vector<19x32xf32>
    %reduce_sum3A_30 = vector.shape_cast %select_n3A_29 : vector<19x32xf32> to vector<1x19x32xf32>
    %reduce_sum3A_31 = arith.constant dense<0.000000e+00> : vector<1xf32>
    %reduce_sum3A_32 = vector.multi_reduction <add>, %reduce_sum3A_30, %reduce_sum3A_31 [1, 2] : vector<1x19x32xf32> to vector<1xf32>
    %reduce_sum3A_33 = vector.shape_cast %reduce_sum3A_32 : vector<1xf32> to vector<1x1x1xf32>
    %reduce_sum3A_34 = vector.extract %reduce_sum3A_33[0, 0, 0] : f32 from vector<1x1x1xf32>
    %broadcast_in_dim3A_35 = vector.broadcast %reduce_sum3A_34 : f32 to vector<1x1xf32>
    %div3A_36 = arith.divf %broadcast_in_dim3A_35, %broadcast_in_dim3A_22 : vector<1x1xf32>
    %swap3A = arith.constant 0 : index
    %swap3A_37 = arith.constant 0 : index
    %swap3A_38 = vector.load %arg2[%swap3A, %swap3A_37] : memref<1x1xf32, #tpu.memory_space<vmem>>, vector<1x1xf32>
    tpu.vector_store %arg2[%swap3A, %swap3A_37], %div3A_36 {strides = array<i32>} : memref<1x1xf32, #tpu.memory_space<vmem>>, vector<1x1xf32>,
    return
  }
}

module attributes {stable_mosaic.version = 14 : i64} {
  func.func @_cbce_body(%arg0: i32, %arg1: i32, %arg2: memref<1x19x128x512xf32, #tpu.memory_space<vmem>>, %arg3: memref<1x128x512xi32, #tpu.memory_space<vmem>>, %arg4: memref<19x1x1xf32, #tpu.memory_space<vmem>>) attributes {dimension_semantics = [#tpu.dimension_semantics<arbitrary>, #tpu.dimension_semantics<arbitrary>], iteration_bounds = array<i64: 8, 4>, scalar_prefetch = 0 : i64, scratch_operands = 0 : i64, tpu.core_type = #tpu.core_type<tc>, window_params = [{transform_indices = @transform_0, window_bounds = array<i64: 1, 19, 128, 512>}, {transform_indices = @transform_1, window_bounds = array<i64: 1, 128, 512>}, {pipeline_mode = #tpu.pipeline_mode<synchronous>, transform_indices = @transform_2, window_bounds = array<i64: 19, 1, 1>}]} {
    %mul3A = arith.constant 4 : i32
    %mul3A_0 = arith.muli %arg0, %mul3A : i32
    %add3A = arith.addi %mul3A_0, %arg1 : i32
    %get3A = arith.constant 0 : index
    %get3A_1 = arith.constant 0 : index
    %get3A_2 = arith.constant 0 : index
    %get3A_3 = arith.constant 0 : index
    %get3A_4 = vector.load %arg2[%get3A, %get3A_1, %get3A_2, %get3A_3] : memref<1x19x128x512xf32, #tpu.memory_space<vmem>>, vector<1x19x128x512xf32>
    %get3A_5 = vector.shape_cast %get3A_4 : vector<1x19x128x512xf32> to vector<19x128x512xf32>
    %get3A_6 = arith.constant 0 : index
    %get3A_7 = arith.constant 0 : index
    %get3A_8 = arith.constant 0 : index
    %get3A_9 = vector.load %arg3[%get3A_6, %get3A_7, %get3A_8] : memref<1x128x512xi32, #tpu.memory_space<vmem>>, vector<1x128x512xi32>
    %reduce_max3A = arith.constant dense<0xFF800000> : vector<128x512xf32>
    %reduce_max3A_10 = vector.multi_reduction <maximumf>, %get3A_5, %reduce_max3A [0] : vector<19x128x512xf32> to vector<128x512xf32>
    %broadcast_in_dim3A = vector.shape_cast %reduce_max3A_10 : vector<128x512xf32> to vector<1x128x512xf32>
    %sub3A = vector.broadcast %broadcast_in_dim3A : vector<1x128x512xf32> to vector<19x128x512xf32>
    %sub3A_11 = arith.subf %get3A_5, %sub3A : vector<19x128x512xf32>
    %exp3A = math.exp %sub3A_11 : vector<19x128x512xf32>
    %reduce_sum3A = arith.constant dense<0.000000e+00> : vector<128x512xf32>
    %reduce_sum3A_12 = vector.multi_reduction <add>, %exp3A, %reduce_sum3A [0] : vector<19x128x512xf32> to vector<128x512xf32>
    %broadcast_in_dim3A_13 = vector.shape_cast %reduce_sum3A_12 : vector<128x512xf32> to vector<1x128x512xf32>
    %log3A = math.log %broadcast_in_dim3A_13 : vector<1x128x512xf32>
    %add3A_14 = arith.addf %log3A, %broadcast_in_dim3A : vector<1x128x512xf32>
    %iota3A = tpu.iota {dimensions = array<i32: 0>} : vector<19x128x512xi32>
    %eq3A = vector.broadcast %get3A_9 : vector<1x128x512xi32> to vector<19x128x512xi32>
    %eq3A_15 = arith.cmpi eq, %iota3A, %eq3A : vector<19x128x512xi32>
    %sub3A_16 = vector.broadcast %add3A_14 : vector<1x128x512xf32> to vector<19x128x512xf32>
    %sub3A_17 = arith.subf %sub3A_16, %get3A_5 : vector<19x128x512xf32>
    %jit3A = arith.constant 0.000000e+00 : f32
    %broadcast_in_dim3A_18 = vector.broadcast %jit3A : f32 to vector<19x128x512xf32>
    %select_n3A = arith.select %eq3A_15, %sub3A_17, %broadcast_in_dim3A_18 : vector<19x128x512xi1>, vector<19x128x512xf32>
    %reduce_sum3A_19 = arith.constant dense<0.000000e+00> : vector<19xf32>
    %reduce_sum3A_20 = vector.multi_reduction <add>, %select_n3A, %reduce_sum3A_19 [1, 2] : vector<19x128x512xf32> to vector<19xf32>
    %broadcast_in_dim3A_21 = vector.shape_cast %reduce_sum3A_20 : vector<19xf32> to vector<19x1x1xf32>
    %eq3A_22 = arith.constant 0 : i32
    %eq3A_23 = arith.cmpi eq, %add3A, %eq3A_22 : i32
    %convert_element_type3A = arith.extui %eq3A_23 : i1 to i32
    %cond3A = arith.constant 0 : i32
    %cond3A_24 = arith.cmpi ne, %convert_element_type3A, %cond3A : i32
    scf.if %cond3A_24 {
      %swap3A = arith.constant 0 : index
      %swap3A_29 = arith.constant 0 : index
      %swap3A_30 = arith.constant 0 : index
      %swap3A_31 = vector.load %arg4[%swap3A, %swap3A_29, %swap3A_30] : memref<19x1x1xf32, #tpu.memory_space<vmem>>, vector<19x1x1xf32>
      tpu.vector_store %arg4[%swap3A, %swap3A_29, %swap3A_30], %broadcast_in_dim3A_21 {strides = array<i32>} : memref<19x1x1xf32, #tpu.memory_space<vmem>>, vector<19x1x1xf32>,
    } else {
    }
    %ne3A = arith.constant 0 : i32
    %ne3A_25 = arith.cmpi ne, %add3A, %ne3A : i32
    %convert_element_type3A_26 = arith.extui %ne3A_25 : i1 to i32
    %cond3A_27 = arith.constant 0 : i32
    %cond3A_28 = arith.cmpi ne, %convert_element_type3A_26, %cond3A_27 : i32
    scf.if %cond3A_28 {
      %get3A_29 = arith.constant 0 : index
      %get3A_30 = arith.constant 0 : index
      %get3A_31 = arith.constant 0 : index
      %get3A_32 = vector.load %arg4[%get3A_29, %get3A_30, %get3A_31] : memref<19x1x1xf32, #tpu.memory_space<vmem>>, vector<19x1x1xf32>
      %add3A_33 = arith.addf %get3A_32, %broadcast_in_dim3A_21 : vector<19x1x1xf32>
      %swap3A = arith.constant 0 : index
      %swap3A_34 = arith.constant 0 : index
      %swap3A_35 = arith.constant 0 : index
      %swap3A_36 = vector.load %arg4[%swap3A, %swap3A_34, %swap3A_35] : memref<19x1x1xf32, #tpu.memory_space<vmem>>, vector<19x1x1xf32>
      tpu.vector_store %arg4[%swap3A, %swap3A_34, %swap3A_35], %add3A_33 {strides = array<i32>} : memref<19x1x1xf32, #tpu.memory_space<vmem>>, vector<19x1x1xf32>,
    } else {
    }
    return
  }
  func.func @transform_0(%arg0: i32, %arg1: i32) -> (i32, i32, i32, i32) {
    %c0_i32 = arith.constant 0 : i32
    %c0_i32_0 = arith.constant 0 : i32
    %c0_i32_1 = arith.constant 0 : i32
    return %arg0, %c0_i32, %arg1, %c0_i32_0 : i32, i32, i32, i32
  }
  func.func @transform_1(%arg0: i32, %arg1: i32) -> (i32, i32, i32) {
    %c0_i32 = arith.constant 0 : i32
    %c0_i32_0 = arith.constant 0 : i32
    return %arg0, %arg1, %c0_i32 : i32, i32, i32
  }
  func.func @transform_2(%arg0: i32, %arg1: i32) -> (i32, i32, i32) {
    %c0_i32 = arith.constant 0 : i32
    %c0_i32_0 = arith.constant 0 : i32
    %c0_i32_1 = arith.constant 0 : i32
    %c0_i32_2 = arith.constant 0 : i32
    return %c0_i32, %c0_i32_0, %c0_i32_1 : i32, i32, i32
  }
}

</mosaic_0001>

<sc_bundles>
// kernel: kernel.5.cloned.1.call-start
scs
__scs_entry_jumppad:
0x0: {  	(pc) =	sbr.rel $0x88, $3  }
0x1: {  	(tag) =	ssettag $0x0;
	lr =	simm.s32 $0x1  }
0x2: {  	[smem:$0x3F9F] =	sst lr;
	_ =	strace $0xD0000000  }
0x3: {  	_ = 	snop  }
0x4: {  	_ = 	snop  }
0x5: {  	_ = 	snop  }
0x6: {  	_ = 	snop  }
0x7: {  	_ = 	snop  }
__scs_overlays_trampoline_lowered:
0x8: {  	[smem:$0x3FAE] =	sst s0  }
0x9: {  	[smem:$0x3FAF] =	sst s1  }
0xa: {  	[smem:$0x3FB0] =	sst s2  }
0xb: {  	[smem:$0x3FB1] =	sst s3  }
0xc: {  	[smem:$0x3FB2] =	sst s4  }
0xd: {  	[smem:$0x3FB3] =	sst s5  }
0xe: {  	[smem:$0x3FB4] =	sst s6  }
0xf: {  	[smem:$0x3FB5] =	sst s7  }
0x10: {  	[smem:$0x3FB6] =	sst s8  }
0x11: {  	[smem:$0x3FB7] =	sst s9;
	s0 =	simm.s32 @!p0 $0x0  }
0x12: {  	s1 =	sld [smem:$0x3F9D];
	s0 =	simm.s32 @p0 $0x1  }
0x13: {  	[smem:$0x3FB8] =	sst s0;
	s0 =	simm.s32 @!p1 $0x0  }
0x14: {  	s2 =	sld [smem:$0x3F9C];
	s0 =	simm.s32 @p1 $0x1  }
0x15: {  	[smem:$0x3FB9] =	sst s0;
	s0 =	simm.s32 @!p2 $0x0  }
0x16: {  	s3 =	sld [smem:$0x3FDB];
	s0 =	simm.s32 @p2 $0x1  }
0x17: {  	s4 =	simm.s32 $0x1BF5;
	[smem:$0x3FBB] =	sst s0  }
0x18: {  	s0 =	sld [smem:$0x3F9E];
	_ =	swait.ge [sflag:s4], $0x0  }
0x19: {  	s7 =	sld [smem:$0x3F9F]  }
0x1a: {  	s8 =	sadd.s32 $0xFFFFE003, lr  }
0x1b: {  	s9 =	sadd.s32 $0xFFFFFEF7, lr;
	s5 =	simm.s32 $0xFFFFFFFF;
	p2 =	slt.u32 s8, $0xFFFFF086  }
0x1c: {  	p1 =	slt.u32 s9, $0xF7A;
	s5 =	simm.s32 @!p2 $0x0  }
0x1d: {  	s5 =	simm.s32 @p1 $0x1;
	p0 =	seq.s32 s7, s2  }
0x1e: {  	s7 =	smul.u32 @!p0 $0xF7A, s2;
	p2 =	seq.s32 @!p0 s5, $0x0  }
0x1f: {  	s9 =	smul.u32 $0xF7A, s1;
	s8 =	simm.s32 @!p0 $0x1BF5;
	p2 =	por !p2, p0  }
0x20: {  	[sflag:s8] =	ssyncset.s32 @!p0 $0xFFFFF086;
	s6 =	sadd.s32 @!p0 s3, s7;
	s7 =	simm.s32 @!p0 $0x108  }
0x21: {  	s3 =	sadd.s32 s3, s9;
	s6 =	sadd.s32 @!p0 $0x88, s6;
	s7 =	simm.s32 @p2 $0x1082  }
0x22: {  	[simem:s7], [sflag:s8] =	dma.local @!p0 [hbm:s6], $0xF7A  }
0x23: {  	s9 =	sor.u32 $0xD0000000, s2;
	s6 =	simm.s32 $0x108;
	_ =	swait.ge @!p0 [sflag:s8], $0x0  }
0x24: {  	s3 =	sadd.s32 $0x88, s3;
	s6 =	simm.s32 @!p1 $0x1082;
	[sflag:s4] =	ssyncset.s32 $0xFFFFF086  }
0x25: {  	[simem:s6], [sflag:s4] =	dma.local [hbm:s3], $0xF7A  }
0x26: {  	[smem:$0x3F9F] =	sst s1;
	(tag) =	ssettag s2;
	_ =	strace s9  }
0x27: {  	s1 =	sld [smem:$0x3FAF]  }
0x28: {  	s2 =	sld [smem:$0x3FB0]  }
0x29: {  	s4 =	sld [smem:$0x3FB2]  }
0x2a: {  	p0 =	seq.s32 s5, $0x0;
	s5 =	sld [smem:$0x3FB3]  }
0x2b: {  	s6 =	sld [smem:$0x3FB4]  }
0x2c: {  	s7 =	sld [smem:$0x3FB5]  }
0x2d: {  	s3 =	simm.s32 $0x108;
	s8 =	sld [smem:$0x3FB6]  }
0x2e: {  	s3 =	simm.s32 @!p0 $0x1082;
	s9 =	sld [smem:$0x3FB7]  }
0x2f: {  	lr =	sadd.s32 s0, s3;
	s0 =	sld [smem:$0x3FAE]  }
0x30: {  	s3 =	sld [smem:$0x3FB1]  }
0x31: {  	[smem:$0x3FBA] =	sst s10  }
0x32: {  	s10 =	sld [smem:$0x3FB8];
	_ =	sdelay $0x3  }
0x33: {  	p0 =	seq.s32 s10, $0x1;
	s10 =	sld [smem:$0x3FBA];
	_ =	sdelay $0x3  }
0x34: {  	[smem:$0x3FBA] =	sst s10  }
0x35: {  	s10 =	sld [smem:$0x3FB9];
	_ =	sdelay $0x3  }
0x36: {  	p1 =	seq.s32 s10, $0x1;
	s10 =	sld [smem:$0x3FBA];
	_ =	sdelay $0x3  }
0x37: {  	[smem:$0x3FBA] =	sst s10  }
0x38: {  	s10 =	sld [smem:$0x3FBB]  }
0x39: {  	_ = 	snop;
	(pc) =	sbr.ind lr, $3  }
0x3a: {  	_ = 	snop  }
0x3b: {  	_ = 	snop  }
0x3c: {  	p2 =	seq.s32 s10, $0x1;
	s10 =	sld [smem:$0x3FBA]  }
0x3d: {  	_ =	shalt  }
0x3e: {  	_ =	shalt  }
0x3f: {  	_ =	shalt  }
0x40: {  	_ =	shalt  }
0x41: {  	_ =	shalt  }
0x42: {  	_ =	shalt  }
0x43: {  	_ =	shalt  }
0x44: {  	_ =	shalt  }
0x45: {  	_ =	shalt  }
0x46: {  	_ =	shalt  }
0x47: {  	_ =	shalt  }
0x48: {  	_ =	shalt  }
0x49: {  	_ =	shalt  }
0x4a: {  	_ =	shalt  }
0x4b: {  	_ =	shalt  }
0x4c: {  	_ =	shalt  }
0x4d: {  	_ =	shalt  }
0x4e: {  	_ =	shalt  }
0x4f: {  	_ =	shalt  }
0x50: {  	_ =	shalt  }
0x51: {  	_ =	shalt  }
0x52: {  	_ =	shalt  }
0x53: {  	_ =	shalt  }
0x54: {  	_ =	shalt  }
0x55: {  	_ =	shalt  }
0x56: {  	_ =	shalt  }
0x57: {  	_ =	shalt  }
0x58: {  	_ =	shalt  }
0x59: {  	_ =	shalt  }
0x5a: {  	_ =	shalt  }
0x5b: {  	_ =	shalt  }
0x5c: {  	_ =	shalt  }
0x5d: {  	_ =	shalt  }
0x5e: {  	_ =	shalt  }
0x5f: {  	_ =	shalt  }
0x60: {  	_ =	shalt  }
0x61: {  	_ =	shalt  }
0x62: {  	_ =	shalt  }
0x63: {  	_ =	shalt  }
0x64: {  	_ =	shalt  }
0x65: {  	_ =	shalt  }
0x66: {  	_ =	shalt  }
0x67: {  	_ =	shalt  }
0x68: {  	_ =	shalt  }
0x69: {  	_ =	shalt  }
0x6a: {  	_ =	shalt  }
0x6b: {  	_ =	shalt  }
0x6c: {  	_ =	shalt  }
0x6d: {  	_ =	shalt  }
0x6e: {  	_ =	shalt  }
0x6f: {  	_ =	shalt  }
0x70: {  	_ =	shalt  }
0x71: {  	_ =	shalt  }
0x72: {  	_ =	shalt  }
0x73: {  	_ =	shalt  }
0x74: {  	_ =	shalt  }
0x75: {  	_ =	shalt  }
0x76: {  	_ =	shalt  }
0x77: {  	_ =	shalt  }
0x78: {  	_ =	shalt  }
0x79: {  	_ =	shalt  }
0x7a: {  	_ =	shalt  }
0x7b: {  	_ =	shalt  }
0x7c: {  	_ =	shalt  }
0x7d: {  	_ =	shalt  }
0x7e: {  	_ =	shalt  }
0x7f: {  	_ =	shalt  }
0x80: {  	_ =	shalt  }
0x81: {  	_ =	shalt  }
0x82: {  	_ =	shalt  }
0x83: {  	_ =	shalt  }
0x84: {  	_ =	shalt  }
0x85: {  	_ =	shalt  }
0x86: {  	_ =	shalt  }
0x87: {  	_ =	shalt  }
.Lfunc_end0:
.L_simem_size_0:
called_computation_lowered:
.L_overlay_start_0:
0x88: {  	s2 =	sld [smem:$0x3FD9]  }
0x89: {  	s3 =	sld [smem:$0x3FFE];
	_ =	sdelay $0x1  }
0x8a: {  	s1 =	srdreg.scid  }
0x8b: {  	s0 =	sand.u32 $0x1, s1  }
0x8c: {  	s17 =	sshll.u32 s0, $0xA;
	s2 =	sadd.s32 s3, s2  }
0x8d: {  	s2 =	sadd.s32 s2, s17  }
0x8e: {  	[smem:$0x3FC6] =	sst s2  }
0x8f: {  	_ = 	snop  }
0x90: {  	s2 =	sld [smem:$0x3FC8];
	(tm) =	ssettm $0x1  }
0x91: {  	s18 =	sld [smem:$0x3FFB];
	_ =	sdelay $0x3  }
0x92: {  	_ =	strace s18  }
0x93: {  	s3 =	sld [smem:$0x3FFC];
	_ =	sdelay $0x3  }
0x94: {  	_ =	strace s3  }
0x95: {  	s3 =	sld [smem:$0x3FFD];
	_ =	sdelay $0x3  }
0x96: {  	_ =	strace s3  }
0x97: {  	_ =	strace $0x8FFFFFFF  }
0x98: {  	s19 =	sld [smem:$0x3FDB];
	_ =	sdelay $0x1  }
0x99: {  	s4 =	simm.s32 $_scs_section_size  }
0x9a: {  	s5 =	simm.s32 $_size__tile_overlayer_lowered;
	s6 =	simm.s32 $_tile_overlayer_lowered  }
0x9b: {  	s22 =	simm.s32 $0x1BFF;
	s21 =	sshll.u32 s6, $0x1;
	s3 =	sadd.s32 s4, s19  }
0x9c: {  	s7 =	simm.s32 $0x0;
	s20 =	sshll.u32 s5, $0x1;
	s5 =	sadd.s32 s21, s3  }
0x9d: {  	[timem:s7], [sflag:s22] =	dma.local [hbm:s5], s20  }
0x9e: {  	_ =	swait.ge [sflag:s22], s20  }
0x9f: {  	s4 =	ssub.s32 $0x0, s20;
	[sflag:s22] =	ssyncset.done $0x0  }
0xa0: {  	[sflag:s22] =	ssyncadd.s32 s4;
	_ =	sdelay $0x1  }
0xa1: {  	s23 =	simm.s32 $0x1B8B  }
0xa2: {  	_ =	swait.ge [sflag:s23], $0x1  }
0xa3: {  	[sflag:s23] =	ssyncset.done $0x0  }
0xa4: {  	s25 =	simm.s32 $0x1B8E;
	s24 =	sld [smem:$0x3FFE];
	[sflag:s23] =	ssyncadd.s32 $0xFFFFFFFF  }
0xa5: {  	s26 =	simm.s32 $execute0_lowered;
	[smem:$0x3FD2] =	sst s25  }
0xa6: {  	s5 =	sshll.u32 s26, $0x1;
	_ =	strace $0x80000046;
	[dreg:$0x1] =	wrdreg $0xFFFFFFFF  }
0xa7: {  	s28 =	simm.s32 $_size_execute0_lowered;
	s3 =	sadd.s32 s3, s5;
	[dreg:$0x0] =	wrdreg $0x0  }
0xa8: {  	s5 =	sshll.u32 s28, $0x1;
	[dreg:$0x2] =	wrdreg s3  }
0xa9: {  	[dreg:$0x3] =	wrdreg s5  }
0xaa: {  	[dreg:$0x4] =	wrdreg $0xC0  }
0xab: {  	_ =	task [dreg:s7], $0x5FFFF  }
0xac: {  	[dreg:$0x1] =	wrdreg $0xFFFFFFFF  }
0xad: {  	[dreg:$0x0] =	wrdreg $0x60  }
0xae: {  	[dreg:$0x2] =	wrdreg s2  }
0xaf: {  	[dreg:$0x3] =	wrdreg s24  }
0xb0: {  	[dreg:$0x4] =	wrdreg $0x9  }
0xb1: {  	_ =	task.clear_ibuf [dreg:s7], $0x5FFFF;
	_ =	strace $0x90000046  }
0xb2: {  	s29 =	simm.s32 $0x9;
	_ =	strace $0x80000048  }
0xb3: {  	_ =	swait.ge [sflag:s29], $0x1  }
0xb4: {  	[sflag:s29] =	ssyncadd.s32 $0xFFFFFFFF  }
0xb5: {  	_ =	strace $0x90000048  }
0xb6: {  	_ =	sfence  }
0xb7: {  	s30 =	sld [smem:$0x0];
	_ =	sdelay $0x2  }
0xb8: {  	s31 =	sshll.u32 s1, $0xD;
	s1 =	sshrl.u32 s1, $0x2  }
0xb9: {  	s3 =	sand.u32 $0x4000, s31;
	s1 =	sadd.s32 s1, s30  }
0xba: {  	s0 =	sor.u32 s3, s0;
	s1 =	sshll.u32 s1, $0x11  }
0xbb: {  	s0 =	sor.u32 s1, s0  }
0xbc: {  	s0 =	sadd.s32 $0x8F2B, s0  }
0xbd: {  	[sflag:s0] =	ssyncadd.remote.s32 $0x1  }
0xbe: {  	_ =	sfence.sel $0xFFFF  }
0xbf: {  	[dreg:$0x0] =	wrdreg $0xFFFFFFFF;
	(pc) =	sbr.abs _section_cstart, $3  }
0xc0: {  	[dreg:$0x1] =	wrdreg $0xFFFFFFFF  }
0xc1: {  	_ =	task.clear_ibuf [dreg:s7], $0x2FFFF;
	_ =	strace $0x9FFFFFFF  }
0xc2: {  	(tm) =	ssettm $0x7FFFFFFF  }
0xc3: {  	_ =	shalt  }
tec
execute0_lowered:
.L_overlay_start_1:
0x0: {  	(tag) =	ssettag $0x1  }
0x1: {  	v0 =	vlaneseq.u32  }
0x2: {  	v1 =	vimm.f32 $0.0e+00;
	v2 =	vimm.f32 $1.000000000e+00;
	v3 =	vmul.u32 $0x10, v0  }
0x3: {  	v4 =	vor.u32 $0x200, v0;
	v5 =	vor.u32 $0x400, v0;
	v6 =	vor.u32 $0x600, v0  }
0x4: {  	v7 =	vor.u32 $0x1, v3;
	v13 =	vor.u32 $0x7, v3;
	v14 =	vor.u32 $0x8, v3  }
0x5: {  	v15 =	vor.u32 $0x9, v3;
	v16 =	vor.u32 $0xA, v3;
	v17 =	vor.u32 $0xB, v3  }
0x6: {  	v18 =	vor.u32 $0xC, v3;
	v19 =	vor.u32 $0xD, v3;
	v20 =	vor.u32 $0xE, v3  }
0x7: {  	v21 =	vor.u32 $0xF, v3;
	v22 =	vor.u32 $0x200, v3;
	v23 =	vor.u32 $0x201, v3  }
0x8: {  	v24 =	vor.u32 $0x202, v3;
	v25 =	vor.u32 $0x203, v3;
	v26 =	vor.u32 $0x204, v3  }
0x9: {  	v27 =	vor.u32 $0x205, v3;
	v28 =	vor.u32 $0x206, v3;
	v29 =	vor.u32 $0x207, v3  }
0xa: {  	v30 =	vor.u32 $0x208, v3;
	v31 =	vor.u32 $0x209, v3;
	v32 =	vor.u32 $0x20A, v3  }
0xb: {  	v33 =	vor.u32 $0x20B, v3;
	v34 =	vor.u32 $0x20C, v3;
	v35 =	vor.u32 $0x20D, v3  }
0xc: {  	s3 =	rddreg [dreg:$0x0];
	v36 =	vor.u32 $0x20E, v3;
	v37 =	vor.u32 $0x20F, v3;
	v38 =	vor.u32 $0x400, v3  }
0xd: {  	s4 =	rddreg [dreg:$0x1];
	v39 =	vor.u32 $0x401, v3;
	v40 =	vor.u32 $0x402, v3;
	v41 =	vor.u32 $0x403, v3  }
0xe: {  	s0 =	rddreg [dreg:$0x2];
	s5 =	srdreg.scid;
	v42 =	vor.u32 $0x404, v3;
	v43 =	vor.u32 $0x405, v3;
	v44 =	vor.u32 $0x406, v3  }
0xf: {  	s1 =	stileid.u32;
	s2 =	simm.s32 $0x0;
	s5 =	sand.u32 $0x1, s5;
	v45 =	vor.u32 $0x407, v3;
	v46 =	vor.u32 $0x408, v3;
	v47 =	vor.u32 $0x409, v3  }
0x10: {  	s6 =	sshll.u32 s1, $0x1;
	[smem:$0x7FF] =	sst s2;
	s8 =	sshll.u32 s1, $0xE;
	v48 =	vor.u32 $0x40A, v3;
	v49 =	vor.u32 $0x40B, v3;
	[tilespmem:$0x1FFA0] =	vst v7;
	v7 =	vor.u32 $0x2, v3  }
0x11: {  	s6 =	sor.u32 s5, s6;
	s5 =	ssub.s32 $0x2, s5;
	s8 =	sand.u32 $0x38000, s8;
	v50 =	vor.u32 $0x40C, v3;
	v51 =	vor.u32 $0x40D, v3;
	[tilespmem:$0x1FFB0] =	vst v7;
	v7 =	vor.u32 $0x3, v3  }
0x12: {  	s7 =	sshll.u32 s6, $0x4;
	s6 =	sshll.u32 s6, $0xD;
	s9 =	sshrl.u32 s5, $0x1;
	v52 =	vor.u32 $0x40E, v3;
	v53 =	vor.u32 $0x40F, v3;
	[tilespmem:$0x1FFC0] =	vst v7;
	v7 =	vor.u32 $0x4, v3  }
0x13: {  	s3 =	sadd.s32 s3, s8;
	v54 =	vor.u32 $0x600, v3;
	v55 =	vor.u32 $0x601, v3;
	s8 =	simm.s32 $0x10800;
	s6 =	sand.u32 $0x6000, s6;
	[tilespmem:$0x1FFD0] =	vst v7;
	v7 =	vor.u32 $0x5, v3  }
0x14: {  	v56 =	vor.u32 $0x602, v3;
	v57 =	vor.u32 $0x603, v3;
	s4 =	sadd.s32 s7, s4;
	s5 =	ssub.s32 s5, s9;
	s7 =	simm.s32 $0x10000;
	[tilespmem:$0x1FFE0] =	vst v7;
	v7 =	vor.u32 $0x6, v3  }
0x15: {  	v58 =	vor.u32 $0x604, v3;
	v59 =	vor.u32 $0x605, v3;
	v60 =	vor.u32 $0x606, v3;
	s9 =	simm.s32 $0x0;
	s3 =	sadd.s32 s6, s3;
	s4 =	sadd.s32 $0x800, s4;
	[tilespmem:$0x1FFF0] =	vst v7  }
0x16: {  	v61 =	vor.u32 $0x607, v3;
	v62 =	vor.u32 $0x608, v3;
	v63 =	vor.u32 $0x609, v3;
	s5 =	smax.u32 s5, $0x1;
	s6 =	simm.s32 $0x1;
	_ =	strace $0x80000047  }
.LBB2_1:
0x17: {  	[tilespmem:s2], [sflag:$0x1] =	stream.linear.gather [hbm4b:s3+s2], $0x10000, $0x38;
	[tilespmem:$0x10880] =	vst v63  }
0x18: {  	_ =	swait.ge [sflag:s6], $0x10000  }
0x19: {  	[sflag:s6] =	ssyncset.done $0x0  }
0x1a: {  	[sflag:s6] =	ssyncadd.s32 $0xFFFF0000  }
0x1b: {  	[tilespmem:$0x10000] =	vst v1  }
0x1c: {  	[tilespmem:$0x10010] =	vst v1  }
0x1d: {  	[tilespmem:$0x10020] =	vst v1  }
0x1e: {  	[tilespmem:$0x10030] =	vst v1  }
0x1f: {  	[tilespmem:$0x10040] =	vst v1  }
0x20: {  	[tilespmem:$0x10050] =	vst v1  }
0x21: {  	[tilespmem:$0x10060] =	vst v1  }
0x22: {  	[tilespmem:$0x10070] =	vst v1  }
0x23: {  	[tilespmem:$0x10080] =	vst v1  }
0x24: {  	[tilespmem:$0x10090] =	vst v1  }
0x25: {  	[tilespmem:$0x100A0] =	vst v1  }
0x26: {  	[tilespmem:$0x100B0] =	vst v1  }
0x27: {  	[tilespmem:$0x100C0] =	vst v1  }
0x28: {  	[tilespmem:$0x100D0] =	vst v1  }
0x29: {  	[tilespmem:$0x100E0] =	vst v1  }
0x2a: {  	[tilespmem:$0x100F0] =	vst v1  }
0x2b: {  	[tilespmem:$0x10100] =	vst v1  }
0x2c: {  	[tilespmem:$0x10110] =	vst v1  }
0x2d: {  	[tilespmem:$0x10120] =	vst v1  }
0x2e: {  	[tilespmem:$0x10130] =	vst v1  }
0x2f: {  	[tilespmem:$0x10140] =	vst v1  }
0x30: {  	[tilespmem:$0x10150] =	vst v1  }
0x31: {  	[tilespmem:$0x10160] =	vst v1  }
0x32: {  	[tilespmem:$0x10170] =	vst v1  }
0x33: {  	[tilespmem:$0x10180] =	vst v1  }
0x34: {  	[tilespmem:$0x10190] =	vst v1  }
0x35: {  	[tilespmem:$0x101A0] =	vst v1  }
0x36: {  	[tilespmem:$0x101B0] =	vst v1  }
0x37: {  	[tilespmem:$0x101C0] =	vst v1  }
0x38: {  	[tilespmem:$0x101D0] =	vst v1  }
0x39: {  	[tilespmem:$0x101E0] =	vst v1  }
0x3a: {  	[tilespmem:$0x101F0] =	vst v1  }
0x3b: {  	[tilespmem:$0x10200] =	vst v1  }
0x3c: {  	[tilespmem:$0x10210] =	vst v1  }
0x3d: {  	[tilespmem:$0x10220] =	vst v1  }
0x3e: {  	[tilespmem:$0x10230] =	vst v1  }
0x3f: {  	[tilespmem:$0x10240] =	vst v1  }
0x40: {  	[tilespmem:$0x10250] =	vst v1  }
0x41: {  	[tilespmem:$0x10260] =	vst v1  }
0x42: {  	[tilespmem:$0x10270] =	vst v1  }
0x43: {  	[tilespmem:$0x10280] =	vst v1  }
0x44: {  	[tilespmem:$0x10290] =	vst v1  }
0x45: {  	[tilespmem:$0x102A0] =	vst v1  }
0x46: {  	[tilespmem:$0x102B0] =	vst v1  }
0x47: {  	[tilespmem:$0x102C0] =	vst v1  }
0x48: {  	[tilespmem:$0x102D0] =	vst v1  }
0x49: {  	[tilespmem:$0x102E0] =	vst v1  }
0x4a: {  	[tilespmem:$0x102F0] =	vst v1  }
0x4b: {  	[tilespmem:$0x10300] =	vst v1  }
0x4c: {  	[tilespmem:$0x10310] =	vst v1  }
0x4d: {  	[tilespmem:$0x10320] =	vst v1  }
0x4e: {  	[tilespmem:$0x10330] =	vst v1  }
0x4f: {  	[tilespmem:$0x10340] =	vst v1  }
0x50: {  	[tilespmem:$0x10350] =	vst v1  }
0x51: {  	[tilespmem:$0x10360] =	vst v1  }
0x52: {  	[tilespmem:$0x10370] =	vst v1  }
0x53: {  	[tilespmem:$0x10380] =	vst v1  }
0x54: {  	[tilespmem:$0x10390] =	vst v1  }
0x55: {  	[tilespmem:$0x103A0] =	vst v1  }
0x56: {  	[tilespmem:$0x103B0] =	vst v1  }
0x57: {  	[tilespmem:$0x103C0] =	vst v1  }
0x58: {  	[tilespmem:$0x103D0] =	vst v1  }
0x59: {  	[tilespmem:$0x103E0] =	vst v1  }
0x5a: {  	[tilespmem:$0x103F0] =	vst v1  }
0x5b: {  	[tilespmem:$0x10400] =	vst v1  }
0x5c: {  	[tilespmem:$0x10410] =	vst v1  }
0x5d: {  	[tilespmem:$0x10420] =	vst v1  }
0x5e: {  	[tilespmem:$0x10430] =	vst v1  }
0x5f: {  	[tilespmem:$0x10440] =	vst v1  }
0x60: {  	[tilespmem:$0x10450] =	vst v1  }
0x61: {  	[tilespmem:$0x10460] =	vst v1  }
0x62: {  	[tilespmem:$0x10470] =	vst v1  }
0x63: {  	[tilespmem:$0x10480] =	vst v1  }
0x64: {  	[tilespmem:$0x10490] =	vst v1  }
0x65: {  	[tilespmem:$0x104A0] =	vst v1  }
0x66: {  	[tilespmem:$0x104B0] =	vst v1  }
0x67: {  	[tilespmem:$0x104C0] =	vst v1  }
0x68: {  	[tilespmem:$0x104D0] =	vst v1  }
0x69: {  	[tilespmem:$0x104E0] =	vst v1  }
0x6a: {  	[tilespmem:$0x104F0] =	vst v1  }
0x6b: {  	[tilespmem:$0x10500] =	vst v1  }
0x6c: {  	[tilespmem:$0x10510] =	vst v1  }
0x6d: {  	[tilespmem:$0x10520] =	vst v1  }
0x6e: {  	[tilespmem:$0x10530] =	vst v1  }
0x6f: {  	[tilespmem:$0x10540] =	vst v1  }
0x70: {  	[tilespmem:$0x10550] =	vst v1  }
0x71: {  	[tilespmem:$0x10560] =	vst v1  }
0x72: {  	[tilespmem:$0x10570] =	vst v1  }
0x73: {  	[tilespmem:$0x10580] =	vst v1  }
0x74: {  	[tilespmem:$0x10590] =	vst v1  }
0x75: {  	[tilespmem:$0x105A0] =	vst v1  }
0x76: {  	[tilespmem:$0x105B0] =	vst v1  }
0x77: {  	[tilespmem:$0x105C0] =	vst v1  }
0x78: {  	[tilespmem:$0x105D0] =	vst v1  }
0x79: {  	[tilespmem:$0x105E0] =	vst v1  }
0x7a: {  	[tilespmem:$0x105F0] =	vst v1  }
0x7b: {  	[tilespmem:$0x10600] =	vst v1  }
0x7c: {  	[tilespmem:$0x10610] =	vst v1  }
0x7d: {  	[tilespmem:$0x10620] =	vst v1  }
0x7e: {  	[tilespmem:$0x10630] =	vst v1  }
0x7f: {  	[tilespmem:$0x10640] =	vst v1  }
0x80: {  	[tilespmem:$0x10650] =	vst v1  }
0x81: {  	[tilespmem:$0x10660] =	vst v1  }
0x82: {  	[tilespmem:$0x10670] =	vst v1  }
0x83: {  	[tilespmem:$0x10680] =	vst v1  }
0x84: {  	[tilespmem:$0x10690] =	vst v1  }
0x85: {  	[tilespmem:$0x106A0] =	vst v1  }
0x86: {  	[tilespmem:$0x106B0] =	vst v1  }
0x87: {  	[tilespmem:$0x106C0] =	vst v1  }
0x88: {  	[tilespmem:$0x106D0] =	vst v1  }
0x89: {  	[tilespmem:$0x106E0] =	vst v1  }
0x8a: {  	[tilespmem:$0x106F0] =	vst v1  }
0x8b: {  	[tilespmem:$0x10700] =	vst v1  }
0x8c: {  	[tilespmem:$0x10710] =	vst v1  }
0x8d: {  	[tilespmem:$0x10720] =	vst v1  }
0x8e: {  	[tilespmem:$0x10730] =	vst v1  }
0x8f: {  	[tilespmem:$0x10740] =	vst v1  }
0x90: {  	[tilespmem:$0x10750] =	vst v1  }
0x91: {  	[tilespmem:$0x10760] =	vst v1  }
0x92: {  	[tilespmem:$0x10770] =	vst v1  }
0x93: {  	[tilespmem:$0x10780] =	vst v1  }
0x94: {  	[tilespmem:$0x10790] =	vst v1  }
0x95: {  	[tilespmem:$0x107A0] =	vst v1  }
0x96: {  	[tilespmem:$0x107B0] =	vst v1  }
0x97: {  	[tilespmem:$0x107C0] =	vst v1  }
0x98: {  	[tilespmem:$0x107D0] =	vst v1  }
0x99: {  	[tilespmem:$0x107E0] =	vst v1  }
0x9a: {  	s10 =	simm.s32 $0x0;
	s11 =	simm.s32 $0x0;
	[tilespmem:$0x107F0] =	vst v1  }
.LBB2_2:
0x9b: {  	s12 =	sand.u32 $0xF000, s11;
	s13 =	sand.u32 $0x380, s10  }
0x9c: {  	s12 =	sor.u32 s13, s12  }
0x9d: {  	v7 =	vld [tilespmem:s12+$0x0];
	_ =	sdelay $0x4  }
0x9e: {  	v7 =	vshll.u32 v7, $0x4  }
0x9f: {  	v7 =	vor.u32 v0, v7;
	_ =	sdelay $0x4  }
0xa0: {  	[tilespmem:v7+s7+$0x0] =	vst.idx.add.f32.msk $0xffff, v2  }
0xa1: {  	v7 =	vld [tilespmem:s12+$0x10];
	_ =	sdelay $0x4  }
0xa2: {  	v7 =	vshll.u32 v7, $0x4  }
0xa3: {  	v7 =	vadd.s32 v4, v7;
	_ =	sdelay $0x4  }
0xa4: {  	[tilespmem:v7+s7+$0x0] =	vst.idx.add.f32.msk $0xffff, v2  }
0xa5: {  	v7 =	vld [tilespmem:s12+$0x20];
	_ =	sdelay $0x4  }
0xa6: {  	v7 =	vshll.u32 v7, $0x4  }
0xa7: {  	v7 =	vadd.s32 v5, v7;
	_ =	sdelay $0x4  }
0xa8: {  	[tilespmem:v7+s7+$0x0] =	vst.idx.add.f32.msk $0xffff, v2  }
0xa9: {  	v7 =	vld [tilespmem:s12+$0x30];
	_ =	sdelay $0x4  }
0xaa: {  	v7 =	vshll.u32 v7, $0x4  }
0xab: {  	v7 =	vadd.s32 v6, v7;
	_ =	sdelay $0x4  }
0xac: {  	[tilespmem:v7+s7+$0x0] =	vst.idx.add.f32.msk $0xffff, v2  }
0xad: {  	v7 =	vld [tilespmem:s12+$0x40];
	_ =	sdelay $0x4  }
0xae: {  	v7 =	vshll.u32 v7, $0x4  }
0xaf: {  	v7 =	vor.u32 v0, v7;
	_ =	sdelay $0x4  }
0xb0: {  	[tilespmem:v7+s7+$0x0] =	vst.idx.add.f32.msk $0xffff, v2  }
0xb1: {  	v7 =	vld [tilespmem:s12+$0x50];
	_ =	sdelay $0x4  }
0xb2: {  	v7 =	vshll.u32 v7, $0x4  }
0xb3: {  	v7 =	vadd.s32 v4, v7;
	_ =	sdelay $0x4  }
0xb4: {  	[tilespmem:v7+s7+$0x0] =	vst.idx.add.f32.msk $0xffff, v2  }
0xb5: {  	v7 =	vld [tilespmem:s12+$0x60];
	_ =	sdelay $0x4  }
0xb6: {  	v7 =	vshll.u32 v7, $0x4  }
0xb7: {  	v7 =	vadd.s32 v5, v7;
	_ =	sdelay $0x4  }
0xb8: {  	[tilespmem:v7+s7+$0x0] =	vst.idx.add.f32.msk $0xffff, v2  }
0xb9: {  	v7 =	vld [tilespmem:s12+$0x70];
	_ =	sdelay $0x4  }
0xba: {  	v7 =	vshll.u32 v7, $0x4  }
0xbb: {  	v7 =	vadd.s32 v6, v7;
	_ =	sdelay $0x4  }
0xbc: {  	[tilespmem:v7+s7+$0x0] =	vst.idx.add.f32.msk $0xffff, v2  }
0xbd: {  	v7 =	vld [tilespmem:s12+$0x400];
	_ =	sdelay $0x4  }
0xbe: {  	v7 =	vshll.u32 v7, $0x4  }
0xbf: {  	v7 =	vor.u32 v0, v7;
	_ =	sdelay $0x4  }
0xc0: {  	[tilespmem:v7+s7+$0x0] =	vst.idx.add.f32.msk $0xffff, v2  }
0xc1: {  	v7 =	vld [tilespmem:s12+$0x410];
	_ =	sdelay $0x4  }
0xc2: {  	v7 =	vshll.u32 v7, $0x4  }
0xc3: {  	v7 =	vadd.s32 v4, v7;
	_ =	sdelay $0x4  }
0xc4: {  	[tilespmem:v7+s7+$0x0] =	vst.idx.add.f32.msk $0xffff, v2  }
0xc5: {  	v7 =	vld [tilespmem:s12+$0x420];
	_ =	sdelay $0x4  }
0xc6: {  	v7 =	vshll.u32 v7, $0x4  }
0xc7: {  	v7 =	vadd.s32 v5, v7;
	_ =	sdelay $0x4  }
0xc8: {  	[tilespmem:v7+s7+$0x0] =	vst.idx.add.f32.msk $0xffff, v2  }
0xc9: {  	v7 =	vld [tilespmem:s12+$0x430];
	_ =	sdelay $0x4  }
0xca: {  	v7 =	vshll.u32 v7, $0x4  }
0xcb: {  	v7 =	vadd.s32 v6, v7;
	_ =	sdelay $0x4  }
0xcc: {  	[tilespmem:v7+s7+$0x0] =	vst.idx.add.f32.msk $0xffff, v2  }
0xcd: {  	v7 =	vld [tilespmem:s12+$0x440];
	_ =	sdelay $0x4  }
0xce: {  	v7 =	vshll.u32 v7, $0x4  }
0xcf: {  	v7 =	vor.u32 v0, v7;
	_ =	sdelay $0x4  }
0xd0: {  	[tilespmem:v7+s7+$0x0] =	vst.idx.add.f32.msk $0xffff, v2  }
0xd1: {  	v7 =	vld [tilespmem:s12+$0x450];
	_ =	sdelay $0x4  }
0xd2: {  	v7 =	vshll.u32 v7, $0x4  }
0xd3: {  	v7 =	vadd.s32 v4, v7;
	_ =	sdelay $0x4  }
0xd4: {  	[tilespmem:v7+s7+$0x0] =	vst.idx.add.f32.msk $0xffff, v2  }
0xd5: {  	v7 =	vld [tilespmem:s12+$0x460];
	_ =	sdelay $0x4  }
0xd6: {  	v7 =	vshll.u32 v7, $0x4  }
0xd7: {  	v7 =	vadd.s32 v5, v7;
	_ =	sdelay $0x4  }
0xd8: {  	[tilespmem:v7+s7+$0x0] =	vst.idx.add.f32.msk $0xffff, v2  }
0xd9: {  	v7 =	vld [tilespmem:s12+$0x470];
	_ =	sdelay $0x4  }
0xda: {  	v7 =	vshll.u32 v7, $0x4  }
0xdb: {  	v7 =	vadd.s32 v6, v7;
	_ =	sdelay $0x4  }
0xdc: {  	[tilespmem:v7+s7+$0x0] =	vst.idx.add.f32.msk $0xffff, v2  }
0xdd: {  	v7 =	vld [tilespmem:s12+$0x800];
	_ =	sdelay $0x4  }
0xde: {  	v7 =	vshll.u32 v7, $0x4  }
0xdf: {  	v7 =	vor.u32 v0, v7;
	_ =	sdelay $0x4  }
0xe0: {  	[tilespmem:v7+s7+$0x0] =	vst.idx.add.f32.msk $0xffff, v2  }
0xe1: {  	v7 =	vld [tilespmem:s12+$0x810];
	_ =	sdelay $0x4  }
0xe2: {  	v7 =	vshll.u32 v7, $0x4  }
0xe3: {  	v7 =	vadd.s32 v4, v7;
	_ =	sdelay $0x4  }
0xe4: {  	[tilespmem:v7+s7+$0x0] =	vst.idx.add.f32.msk $0xffff, v2  }
0xe5: {  	v7 =	vld [tilespmem:s12+$0x820];
	_ =	sdelay $0x4  }
0xe6: {  	v7 =	vshll.u32 v7, $0x4  }
0xe7: {  	v7 =	vadd.s32 v5, v7;
	_ =	sdelay $0x4  }
0xe8: {  	[tilespmem:v7+s7+$0x0] =	vst.idx.add.f32.msk $0xffff, v2  }
0xe9: {  	v7 =	vld [tilespmem:s12+$0x830];
	_ =	sdelay $0x4  }
0xea: {  	v7 =	vshll.u32 v7, $0x4  }
0xeb: {  	v7 =	vadd.s32 v6, v7;
	_ =	sdelay $0x4  }
0xec: {  	[tilespmem:v7+s7+$0x0] =	vst.idx.add.f32.msk $0xffff, v2  }
0xed: {  	v7 =	vld [tilespmem:s12+$0x840];
	_ =	sdelay $0x4  }
0xee: {  	v7 =	vshll.u32 v7, $0x4  }
0xef: {  	v7 =	vor.u32 v0, v7;
	_ =	sdelay $0x4  }
0xf0: {  	[tilespmem:v7+s7+$0x0] =	vst.idx.add.f32.msk $0xffff, v2  }
0xf1: {  	v7 =	vld [tilespmem:s12+$0x850];
	_ =	sdelay $0x4  }
0xf2: {  	v7 =	vshll.u32 v7, $0x4  }
0xf3: {  	v7 =	vadd.s32 v4, v7;
	_ =	sdelay $0x4  }
0xf4: {  	[tilespmem:v7+s7+$0x0] =	vst.idx.add.f32.msk $0xffff, v2  }
0xf5: {  	v7 =	vld [tilespmem:s12+$0x860];
	_ =	sdelay $0x4  }
0xf6: {  	v7 =	vshll.u32 v7, $0x4  }
0xf7: {  	v7 =	vadd.s32 v5, v7;
	_ =	sdelay $0x4  }
0xf8: {  	[tilespmem:v7+s7+$0x0] =	vst.idx.add.f32.msk $0xffff, v2  }
0xf9: {  	v7 =	vld [tilespmem:s12+$0x870];
	_ =	sdelay $0x4  }
0xfa: {  	v7 =	vshll.u32 v7, $0x4  }
0xfb: {  	v7 =	vadd.s32 v6, v7;
	_ =	sdelay $0x4  }
0xfc: {  	[tilespmem:v7+s7+$0x0] =	vst.idx.add.f32.msk $0xffff, v2  }
0xfd: {  	v7 =	vld [tilespmem:s12+$0xC00];
	_ =	sdelay $0x4  }
0xfe: {  	v7 =	vshll.u32 v7, $0x4  }
0xff: {  	v7 =	vor.u32 v0, v7;
	_ =	sdelay $0x4  }
0x100: {  	[tilespmem:v7+s7+$0x0] =	vst.idx.add.f32.msk $0xffff, v2  }
0x101: {  	v7 =	vld [tilespmem:s12+$0xC10];
	_ =	sdelay $0x4  }
0x102: {  	v7 =	vshll.u32 v7, $0x4  }
0x103: {  	v7 =	vadd.s32 v4, v7;
	_ =	sdelay $0x4  }
0x104: {  	[tilespmem:v7+s7+$0x0] =	vst.idx.add.f32.msk $0xffff, v2  }
0x105: {  	v7 =	vld [tilespmem:s12+$0xC20];
	_ =	sdelay $0x4  }
0x106: {  	v7 =	vshll.u32 v7, $0x4  }
0x107: {  	v7 =	vadd.s32 v5, v7;
	_ =	sdelay $0x4  }
0x108: {  	[tilespmem:v7+s7+$0x0] =	vst.idx.add.f32.msk $0xffff, v2  }
0x109: {  	v7 =	vld [tilespmem:s12+$0xC30];
	_ =	sdelay $0x4  }
0x10a: {  	v7 =	vshll.u32 v7, $0x4  }
0x10b: {  	v7 =	vadd.s32 v6, v7;
	_ =	sdelay $0x4  }
0x10c: {  	[tilespmem:v7+s7+$0x0] =	vst.idx.add.f32.msk $0xffff, v2  }
0x10d: {  	v7 =	vld [tilespmem:s12+$0xC40];
	_ =	sdelay $0x4  }
0x10e: {  	v7 =	vshll.u32 v7, $0x4  }
0x10f: {  	v7 =	vor.u32 v0, v7;
	_ =	sdelay $0x4  }
0x110: {  	[tilespmem:v7+s7+$0x0] =	vst.idx.add.f32.msk $0xffff, v2  }
0x111: {  	v7 =	vld [tilespmem:s12+$0xC50];
	_ =	sdelay $0x4  }
0x112: {  	v7 =	vshll.u32 v7, $0x4  }
0x113: {  	v7 =	vadd.s32 v4, v7;
	_ =	sdelay $0x4  }
0x114: {  	[tilespmem:v7+s7+$0x0] =	vst.idx.add.f32.msk $0xffff, v2  }
0x115: {  	v7 =	vld [tilespmem:s12+$0xC60];
	_ =	sdelay $0x4  }
0x116: {  	v7 =	vshll.u32 v7, $0x4  }
0x117: {  	v7 =	vadd.s32 v5, v7;
	_ =	sdelay $0x4  }
0x118: {  	[tilespmem:v7+s7+$0x0] =	vst.idx.add.f32.msk $0xffff, v2  }
0x119: {  	v7 =	vld [tilespmem:s12+$0xC70];
	_ =	sdelay $0x4  }
0x11a: {  	v7 =	vshll.u32 v7, $0x4  }
0x11b: {  	p0 =	sne.s32 s11, $0xFE00;
	v7 =	vadd.s32 v6, v7  }
.Ltmp0:
0x11c: {  	_ = 	snop;
	(pc) =	sbr.rel @p0 .LBB2_2-.Ltmp0, $2  }
0x11d: {  	_ =	sdelay $0x2  }
0x11e: {  	s10 =	sadd.s32 $0x80, s10;
	s11 =	sadd.s32 $0x200, s11;
	[tilespmem:v7+s7+$0x0] =	vst.idx.add.f32.msk $0xffff, v2  }
0x11f: {  	v8 =	vld [tilespmem:$0x1FFA0];
	_ =	sdelay $0x1  }
0x120: {  	v9 =	vld [tilespmem:$0x1FFB0];
	_ =	sdelay $0x1  }
0x121: {  	v10 =	vld [tilespmem:$0x1FFC0];
	_ =	sdelay $0x1  }
0x122: {  	v7 =	vld.idx.msk [tilespmem:v3+s7+$0x0], $0xffff;
	_ =	sdelay $0x1  }
0x123: {  	v8 =	vld.idx.msk [tilespmem:v8+s7+$0x0], $0xffff;
	_ =	sdelay $0x1  }
0x124: {  	v9 =	vld.idx.msk [tilespmem:v9+s7+$0x0], $0xffff  }
0x125: {  	v7 =	vadd.f32 $0.0e+00, v7  }
0x126: {  	v10 =	vld.idx.msk [tilespmem:v10+s7+$0x0], $0xffff  }
0x127: {  	v7 =	vadd.f32 v8, v7;
	v8 =	vld [tilespmem:$0x1FFD0];
	_ =	sdelay $0x1  }
0x128: {  	v7 =	vadd.f32 v9, v7;
	v9 =	vld [tilespmem:$0x1FFE0];
	_ =	sdelay $0x1  }
0x129: {  	v7 =	vadd.f32 v10, v7;
	v10 =	vld [tilespmem:$0x1FFF0];
	_ =	sdelay $0x3  }
0x12a: {  	v8 =	vld.idx.msk [tilespmem:v8+s7+$0x0], $0xffff;
	_ =	sdelay $0x1  }
0x12b: {  	v9 =	vld.idx.msk [tilespmem:v9+s7+$0x0], $0xffff;
	_ =	sdelay $0x1  }
0x12c: {  	v10 =	vld.idx.msk [tilespmem:v10+s7+$0x0], $0xffff  }
0x12d: {  	v7 =	vadd.f32 v8, v7  }
0x12e: {  	v8 =	vld.idx.msk [tilespmem:v13+s7+$0x0], $0xffff  }
0x12f: {  	v7 =	vadd.f32 v9, v7  }
0x130: {  	v9 =	vld.idx.msk [tilespmem:v14+s7+$0x0], $0xffff  }
0x131: {  	v7 =	vadd.f32 v10, v7  }
0x132: {  	v10 =	vld.idx.msk [tilespmem:v15+s7+$0x0], $0xffff  }
0x133: {  	v7 =	vadd.f32 v8, v7  }
0x134: {  	v8 =	vld.idx.msk [tilespmem:v16+s7+$0x0], $0xffff  }
0x135: {  	v7 =	vadd.f32 v9, v7  }
0x136: {  	v9 =	vld.idx.msk [tilespmem:v17+s7+$0x0], $0xffff  }
0x137: {  	v7 =	vadd.f32 v10, v7  }
0x138: {  	v10 =	vld.idx.msk [tilespmem:v18+s7+$0x0], $0xffff  }
0x139: {  	v7 =	vadd.f32 v8, v7  }
0x13a: {  	v8 =	vld.idx.msk [tilespmem:v19+s7+$0x0], $0xffff  }
0x13b: {  	v7 =	vadd.f32 v9, v7  }
0x13c: {  	v9 =	vld.idx.msk [tilespmem:v20+s7+$0x0], $0xffff  }
0x13d: {  	v7 =	vadd.f32 v10, v7  }
0x13e: {  	v10 =	vld.idx.msk [tilespmem:v21+s7+$0x0], $0xffff  }
0x13f: {  	v7 =	vadd.f32 v8, v7  }
0x140: {  	v8 =	vld.idx.msk [tilespmem:v22+s7+$0x0], $0xffff  }
0x141: {  	v7 =	vadd.f32 v9, v7  }
0x142: {  	v9 =	vld.idx.msk [tilespmem:v23+s7+$0x0], $0xffff  }
0x143: {  	v7 =	vadd.f32 v10, v7  }
0x144: {  	v10 =	vld.idx.msk [tilespmem:v24+s7+$0x0], $0xffff  }
0x145: {  	v7 =	vadd.f32 v8, v7  }
0x146: {  	v8 =	vld.idx.msk [tilespmem:v25+s7+$0x0], $0xffff  }
0x147: {  	v7 =	vadd.f32 v9, v7  }
0x148: {  	v9 =	vld.idx.msk [tilespmem:v26+s7+$0x0], $0xffff  }
0x149: {  	v7 =	vadd.f32 v10, v7  }
0x14a: {  	v10 =	vld.idx.msk [tilespmem:v27+s7+$0x0], $0xffff  }
0x14b: {  	v7 =	vadd.f32 v8, v7  }
0x14c: {  	v8 =	vld.idx.msk [tilespmem:v28+s7+$0x0], $0xffff  }
0x14d: {  	v7 =	vadd.f32 v9, v7  }
0x14e: {  	v9 =	vld.idx.msk [tilespmem:v29+s7+$0x0], $0xffff  }
0x14f: {  	v7 =	vadd.f32 v10, v7  }
0x150: {  	v10 =	vld.idx.msk [tilespmem:v30+s7+$0x0], $0xffff  }
0x151: {  	v7 =	vadd.f32 v8, v7  }
0x152: {  	v8 =	vld.idx.msk [tilespmem:v31+s7+$0x0], $0xffff  }
0x153: {  	v7 =	vadd.f32 v9, v7  }
0x154: {  	v9 =	vld.idx.msk [tilespmem:v32+s7+$0x0], $0xffff  }
0x155: {  	v7 =	vadd.f32 v10, v7  }
0x156: {  	v10 =	vld.idx.msk [tilespmem:v33+s7+$0x0], $0xffff  }
0x157: {  	v7 =	vadd.f32 v8, v7  }
0x158: {  	v8 =	vld.idx.msk [tilespmem:v34+s7+$0x0], $0xffff  }
0x159: {  	v7 =	vadd.f32 v9, v7  }
0x15a: {  	v9 =	vld.idx.msk [tilespmem:v35+s7+$0x0], $0xffff  }
0x15b: {  	v7 =	vadd.f32 v10, v7  }
0x15c: {  	v10 =	vld.idx.msk [tilespmem:v36+s7+$0x0], $0xffff  }
0x15d: {  	v7 =	vadd.f32 v8, v7  }
0x15e: {  	v8 =	vld.idx.msk [tilespmem:v37+s7+$0x0], $0xffff  }
0x15f: {  	v7 =	vadd.f32 v9, v7  }
0x160: {  	v9 =	vld.idx.msk [tilespmem:v38+s7+$0x0], $0xffff  }
0x161: {  	v7 =	vadd.f32 v10, v7  }
0x162: {  	v10 =	vld.idx.msk [tilespmem:v39+s7+$0x0], $0xffff  }
0x163: {  	v7 =	vadd.f32 v8, v7  }
0x164: {  	v8 =	vld.idx.msk [tilespmem:v40+s7+$0x0], $0xffff  }
0x165: {  	v7 =	vadd.f32 v9, v7  }
0x166: {  	v9 =	vld.idx.msk [tilespmem:v41+s7+$0x0], $0xffff  }
0x167: {  	v7 =	vadd.f32 v10, v7  }
0x168: {  	v10 =	vld.idx.msk [tilespmem:v42+s7+$0x0], $0xffff  }
0x169: {  	v7 =	vadd.f32 v8, v7  }
0x16a: {  	v8 =	vld.idx.msk [tilespmem:v43+s7+$0x0], $0xffff  }
0x16b: {  	v7 =	vadd.f32 v9, v7  }
0x16c: {  	v9 =	vld.idx.msk [tilespmem:v44+s7+$0x0], $0xffff  }
0x16d: {  	v7 =	vadd.f32 v10, v7  }
0x16e: {  	v10 =	vld.idx.msk [tilespmem:v45+s7+$0x0], $0xffff  }
0x16f: {  	v7 =	vadd.f32 v8, v7  }
0x170: {  	v8 =	vld.idx.msk [tilespmem:v46+s7+$0x0], $0xffff  }
0x171: {  	v7 =	vadd.f32 v9, v7  }
0x172: {  	v9 =	vld.idx.msk [tilespmem:v47+s7+$0x0], $0xffff  }
0x173: {  	v7 =	vadd.f32 v10, v7  }
0x174: {  	v10 =	vld.idx.msk [tilespmem:v48+s7+$0x0], $0xffff  }
0x175: {  	v7 =	vadd.f32 v8, v7  }
0x176: {  	v8 =	vld.idx.msk [tilespmem:v49+s7+$0x0], $0xffff  }
0x177: {  	v7 =	vadd.f32 v9, v7  }
0x178: {  	v9 =	vld.idx.msk [tilespmem:v50+s7+$0x0], $0xffff  }
0x179: {  	v7 =	vadd.f32 v10, v7  }
0x17a: {  	v10 =	vld.idx.msk [tilespmem:v51+s7+$0x0], $0xffff  }
0x17b: {  	v7 =	vadd.f32 v8, v7  }
0x17c: {  	v8 =	vld.idx.msk [tilespmem:v52+s7+$0x0], $0xffff  }
0x17d: {  	v7 =	vadd.f32 v9, v7  }
0x17e: {  	v9 =	vld.idx.msk [tilespmem:v53+s7+$0x0], $0xffff  }
0x17f: {  	v7 =	vadd.f32 v10, v7  }
0x180: {  	v10 =	vld.idx.msk [tilespmem:v54+s7+$0x0], $0xffff  }
0x181: {  	v7 =	vadd.f32 v8, v7  }
0x182: {  	v8 =	vld.idx.msk [tilespmem:v55+s7+$0x0], $0xffff  }
0x183: {  	v7 =	vadd.f32 v9, v7  }
0x184: {  	v9 =	vld.idx.msk [tilespmem:v56+s7+$0x0], $0xffff  }
0x185: {  	v7 =	vadd.f32 v10, v7  }
0x186: {  	v10 =	vld.idx.msk [tilespmem:v57+s7+$0x0], $0xffff  }
0x187: {  	v7 =	vadd.f32 v8, v7  }
0x188: {  	v8 =	vld.idx.msk [tilespmem:v58+s7+$0x0], $0xffff  }
0x189: {  	v7 =	vadd.f32 v9, v7  }
0x18a: {  	v9 =	vld.idx.msk [tilespmem:v59+s7+$0x0], $0xffff  }
0x18b: {  	v7 =	vadd.f32 v10, v7  }
0x18c: {  	v10 =	vld.idx.msk [tilespmem:v60+s7+$0x0], $0xffff  }
0x18d: {  	v7 =	vadd.f32 v8, v7  }
0x18e: {  	v8 =	vld.idx.msk [tilespmem:v61+s7+$0x0], $0xffff  }
0x18f: {  	v7 =	vadd.f32 v9, v7;
	v9 =	vor.u32 $0x60A, v3  }
0x190: {  	v11 =	vld.idx.msk [tilespmem:v62+s7+$0x0], $0xffff  }
0x191: {  	v7 =	vadd.f32 v10, v7;
	v10 =	vor.u32 $0x60B, v3  }
0x192: {  	v12 =	vld.idx.msk [tilespmem:v63+s7+$0x0], $0xffff  }
0x193: {  	v7 =	vadd.f32 v8, v7;
	v8 =	vor.u32 $0x60C, v3  }
0x194: {  	v9 =	vld.idx.msk [tilespmem:v9+s7+$0x0], $0xffff  }
0x195: {  	v7 =	vadd.f32 v11, v7;
	v11 =	vor.u32 $0x60D, v3  }
0x196: {  	v10 =	vld.idx.msk [tilespmem:v10+s7+$0x0], $0xffff  }
0x197: {  	v7 =	vadd.f32 v12, v7;
	v12 =	vor.u32 $0x60E, v3  }
0x198: {  	v8 =	vld.idx.msk [tilespmem:v8+s7+$0x0], $0xffff  }
0x199: {  	v7 =	vadd.f32 v9, v7;
	v9 =	vor.u32 $0x60F, v3  }
0x19a: {  	v11 =	vld.idx.msk [tilespmem:v11+s7+$0x0], $0xffff  }
0x19b: {  	v7 =	vadd.f32 v10, v7  }
0x19c: {  	v10 =	vld.idx.msk [tilespmem:v12+s7+$0x0], $0xffff  }
0x19d: {  	v7 =	vadd.f32 v8, v7  }
0x19e: {  	v8 =	vld.idx.msk [tilespmem:v9+s7+$0x0], $0xffff  }
0x19f: {  	v7 =	vadd.f32 v11, v7;
	_ =	sdelay $0x1  }
0x1a0: {  	v9 =	vor.u32 $0x100, v3;
	v7 =	vadd.f32 v10, v7;
	_ =	sdelay $0x1  }
0x1a1: {  	v7 =	vadd.f32 v8, v7;
	v8 =	vor.u32 $0x101, v3;
	_ =	sdelay $0x1  }
0x1a2: {  	[tilespmem:$0x10800] =	vst v7;
	v7 =	vor.u32 $0x102, v3  }
0x1a3: {  	v9 =	vld.idx.msk [tilespmem:v9+s7+$0x0], $0xffff  }
0x1a4: {  	v10 =	vor.u32 $0x103, v3  }
0x1a5: {  	v8 =	vld.idx.msk [tilespmem:v8+s7+$0x0], $0xffff  }
0x1a6: {  	v11 =	vor.u32 $0x104, v3  }
0x1a7: {  	v7 =	vld.idx.msk [tilespmem:v7+s7+$0x0], $0xffff  }
0x1a8: {  	v12 =	vor.u32 $0x105, v3;
	v9 =	vadd.f32 $0.0e+00, v9  }
0x1a9: {  	v10 =	vld.idx.msk [tilespmem:v10+s7+$0x0], $0xffff  }
0x1aa: {  	v8 =	vadd.f32 v8, v9;
	v9 =	vor.u32 $0x106, v3  }
0x1ab: {  	v11 =	vld.idx.msk [tilespmem:v11+s7+$0x0], $0xffff  }
0x1ac: {  	v7 =	vadd.f32 v7, v8;
	v8 =	vor.u32 $0x107, v3  }
0x1ad: {  	v12 =	vld.idx.msk [tilespmem:v12+s7+$0x0], $0xffff  }
0x1ae: {  	v7 =	vadd.f32 v10, v7;
	v10 =	vor.u32 $0x108, v3  }
0x1af: {  	v9 =	vld.idx.msk [tilespmem:v9+s7+$0x0], $0xffff  }
0x1b0: {  	v7 =	vadd.f32 v11, v7;
	v11 =	vor.u32 $0x109, v3  }
0x1b1: {  	v8 =	vld.idx.msk [tilespmem:v8+s7+$0x0], $0xffff  }
0x1b2: {  	v7 =	vadd.f32 v12, v7;
	v12 =	vor.u32 $0x10A, v3  }
0x1b3: {  	v10 =	vld.idx.msk [tilespmem:v10+s7+$0x0], $0xffff  }
0x1b4: {  	v7 =	vadd.f32 v9, v7;
	v9 =	vor.u32 $0x10B, v3  }
0x1b5: {  	v11 =	vld.idx.msk [tilespmem:v11+s7+$0x0], $0xffff  }
0x1b6: {  	v7 =	vadd.f32 v8, v7;
	v8 =	vor.u32 $0x10C, v3  }
0x1b7: {  	v12 =	vld.idx.msk [tilespmem:v12+s7+$0x0], $0xffff  }
0x1b8: {  	v7 =	vadd.f32 v10, v7;
	v10 =	vor.u32 $0x10D, v3  }
0x1b9: {  	v9 =	vld.idx.msk [tilespmem:v9+s7+$0x0], $0xffff  }
0x1ba: {  	v7 =	vadd.f32 v11, v7;
	v11 =	vor.u32 $0x10E, v3  }
0x1bb: {  	v8 =	vld.idx.msk [tilespmem:v8+s7+$0x0], $0xffff  }
0x1bc: {  	v7 =	vadd.f32 v12, v7;
	v12 =	vor.u32 $0x10F, v3  }
0x1bd: {  	v10 =	vld.idx.msk [tilespmem:v10+s7+$0x0], $0xffff  }
0x1be: {  	v7 =	vadd.f32 v9, v7;
	v9 =	vor.u32 $0x300, v3  }
0x1bf: {  	v11 =	vld.idx.msk [tilespmem:v11+s7+$0x0], $0xffff  }
0x1c0: {  	v7 =	vadd.f32 v8, v7;
	v8 =	vor.u32 $0x301, v3  }
0x1c1: {  	v12 =	vld.idx.msk [tilespmem:v12+s7+$0x0], $0xffff  }
0x1c2: {  	v7 =	vadd.f32 v10, v7;
	v10 =	vor.u32 $0x302, v3  }
0x1c3: {  	v9 =	vld.idx.msk [tilespmem:v9+s7+$0x0], $0xffff  }
0x1c4: {  	v7 =	vadd.f32 v11, v7;
	v11 =	vor.u32 $0x303, v3  }
0x1c5: {  	v8 =	vld.idx.msk [tilespmem:v8+s7+$0x0], $0xffff  }
0x1c6: {  	v7 =	vadd.f32 v12, v7;
	v12 =	vor.u32 $0x304, v3  }
0x1c7: {  	v10 =	vld.idx.msk [tilespmem:v10+s7+$0x0], $0xffff  }
0x1c8: {  	v7 =	vadd.f32 v9, v7;
	v9 =	vor.u32 $0x305, v3  }
0x1c9: {  	v11 =	vld.idx.msk [tilespmem:v11+s7+$0x0], $0xffff  }
0x1ca: {  	v7 =	vadd.f32 v8, v7;
	v8 =	vor.u32 $0x306, v3  }
0x1cb: {  	v12 =	vld.idx.msk [tilespmem:v12+s7+$0x0], $0xffff  }
0x1cc: {  	v7 =	vadd.f32 v10, v7;
	v10 =	vor.u32 $0x307, v3  }
0x1cd: {  	v9 =	vld.idx.msk [tilespmem:v9+s7+$0x0], $0xffff  }
0x1ce: {  	v7 =	vadd.f32 v11, v7;
	v11 =	vor.u32 $0x308, v3  }
0x1cf: {  	v8 =	vld.idx.msk [tilespmem:v8+s7+$0x0], $0xffff  }
0x1d0: {  	v7 =	vadd.f32 v12, v7;
	v12 =	vor.u32 $0x309, v3  }
0x1d1: {  	v10 =	vld.idx.msk [tilespmem:v10+s7+$0x0], $0xffff  }
0x1d2: {  	v7 =	vadd.f32 v9, v7;
	v9 =	vor.u32 $0x30A, v3  }
0x1d3: {  	v11 =	vld.idx.msk [tilespmem:v11+s7+$0x0], $0xffff  }
0x1d4: {  	v7 =	vadd.f32 v8, v7;
	v8 =	vor.u32 $0x30B, v3  }
0x1d5: {  	v12 =	vld.idx.msk [tilespmem:v12+s7+$0x0], $0xffff  }
0x1d6: {  	v7 =	vadd.f32 v10, v7;
	v10 =	vor.u32 $0x30C, v3  }
0x1d7: {  	v9 =	vld.idx.msk [tilespmem:v9+s7+$0x0], $0xffff  }
0x1d8: {  	v7 =	vadd.f32 v11, v7;
	v11 =	vor.u32 $0x30D, v3  }
0x1d9: {  	v8 =	vld.idx.msk [tilespmem:v8+s7+$0x0], $0xffff  }
0x1da: {  	v7 =	vadd.f32 v12, v7;
	v12 =	vor.u32 $0x30E, v3  }
0x1db: {  	v10 =	vld.idx.msk [tilespmem:v10+s7+$0x0], $0xffff  }
0x1dc: {  	v7 =	vadd.f32 v9, v7;
	v9 =	vor.u32 $0x30F, v3  }
0x1dd: {  	v11 =	vld.idx.msk [tilespmem:v11+s7+$0x0], $0xffff  }
0x1de: {  	v7 =	vadd.f32 v8, v7;
	v8 =	vor.u32 $0x500, v3  }
0x1df: {  	v12 =	vld.idx.msk [tilespmem:v12+s7+$0x0], $0xffff  }
0x1e0: {  	v7 =	vadd.f32 v10, v7;
	v10 =	vor.u32 $0x501, v3  }
0x1e1: {  	v9 =	vld.idx.msk [tilespmem:v9+s7+$0x0], $0xffff  }
0x1e2: {  	v7 =	vadd.f32 v11, v7;
	v11 =	vor.u32 $0x502, v3  }
0x1e3: {  	v8 =	vld.idx.msk [tilespmem:v8+s7+$0x0], $0xffff  }
0x1e4: {  	v7 =	vadd.f32 v12, v7;
	v12 =	vor.u32 $0x503, v3  }
0x1e5: {  	v10 =	vld.idx.msk [tilespmem:v10+s7+$0x0], $0xffff  }
0x1e6: {  	v7 =	vadd.f32 v9, v7;
	v9 =	vor.u32 $0x504, v3  }
0x1e7: {  	v11 =	vld.idx.msk [tilespmem:v11+s7+$0x0], $0xffff  }
0x1e8: {  	v7 =	vadd.f32 v8, v7;
	v8 =	vor.u32 $0x505, v3  }
0x1e9: {  	v12 =	vld.idx.msk [tilespmem:v12+s7+$0x0], $0xffff  }
0x1ea: {  	v7 =	vadd.f32 v10, v7;
	v10 =	vor.u32 $0x506, v3  }
0x1eb: {  	v9 =	vld.idx.msk [tilespmem:v9+s7+$0x0], $0xffff  }
0x1ec: {  	v7 =	vadd.f32 v11, v7;
	v11 =	vor.u32 $0x507, v3  }
0x1ed: {  	v8 =	vld.idx.msk [tilespmem:v8+s7+$0x0], $0xffff  }
0x1ee: {  	v7 =	vadd.f32 v12, v7;
	v12 =	vor.u32 $0x508, v3  }
0x1ef: {  	v10 =	vld.idx.msk [tilespmem:v10+s7+$0x0], $0xffff  }
0x1f0: {  	v7 =	vadd.f32 v9, v7;
	v9 =	vor.u32 $0x509, v3  }
0x1f1: {  	v11 =	vld.idx.msk [tilespmem:v11+s7+$0x0], $0xffff  }
0x1f2: {  	v7 =	vadd.f32 v8, v7;
	v8 =	vor.u32 $0x50A, v3  }
0x1f3: {  	v12 =	vld.idx.msk [tilespmem:v12+s7+$0x0], $0xffff  }
0x1f4: {  	v7 =	vadd.f32 v10, v7;
	v10 =	vor.u32 $0x50B, v3  }
0x1f5: {  	v9 =	vld.idx.msk [tilespmem:v9+s7+$0x0], $0xffff  }
0x1f6: {  	v7 =	vadd.f32 v11, v7;
	v11 =	vor.u32 $0x50C, v3  }
0x1f7: {  	v8 =	vld.idx.msk [tilespmem:v8+s7+$0x0], $0xffff  }
0x1f8: {  	v7 =	vadd.f32 v12, v7;
	v12 =	vor.u32 $0x50D, v3  }
0x1f9: {  	v10 =	vld.idx.msk [tilespmem:v10+s7+$0x0], $0xffff  }
0x1fa: {  	v7 =	vadd.f32 v9, v7;
	v9 =	vor.u32 $0x50E, v3  }
0x1fb: {  	v11 =	vld.idx.msk [tilespmem:v11+s7+$0x0], $0xffff  }
0x1fc: {  	v7 =	vadd.f32 v8, v7;
	v8 =	vor.u32 $0x50F, v3  }
0x1fd: {  	v12 =	vld.idx.msk [tilespmem:v12+s7+$0x0], $0xffff  }
0x1fe: {  	v7 =	vadd.f32 v10, v7;
	v10 =	vor.u32 $0x700, v3  }
0x1ff: {  	v9 =	vld.idx.msk [tilespmem:v9+s7+$0x0], $0xffff  }
0x200: {  	v7 =	vadd.f32 v11, v7;
	v11 =	vor.u32 $0x701, v3  }
0x201: {  	v8 =	vld.idx.msk [tilespmem:v8+s7+$0x0], $0xffff  }
0x202: {  	v7 =	vadd.f32 v12, v7;
	v12 =	vor.u32 $0x702, v3  }
0x203: {  	v10 =	vld.idx.msk [tilespmem:v10+s7+$0x0], $0xffff  }
0x204: {  	v7 =	vadd.f32 v9, v7;
	v9 =	vor.u32 $0x703, v3  }
0x205: {  	v11 =	vld.idx.msk [tilespmem:v11+s7+$0x0], $0xffff  }
0x206: {  	v7 =	vadd.f32 v8, v7;
	v8 =	vor.u32 $0x704, v3  }
0x207: {  	v12 =	vld.idx.msk [tilespmem:v12+s7+$0x0], $0xffff  }
0x208: {  	v7 =	vadd.f32 v10, v7;
	v10 =	vor.u32 $0x705, v3  }
0x209: {  	v9 =	vld.idx.msk [tilespmem:v9+s7+$0x0], $0xffff  }
0x20a: {  	v7 =	vadd.f32 v11, v7;
	v11 =	vor.u32 $0x706, v3  }
0x20b: {  	v8 =	vld.idx.msk [tilespmem:v8+s7+$0x0], $0xffff  }
0x20c: {  	v7 =	vadd.f32 v12, v7;
	v12 =	vor.u32 $0x707, v3  }
0x20d: {  	v10 =	vld.idx.msk [tilespmem:v10+s7+$0x0], $0xffff  }
0x20e: {  	v7 =	vadd.f32 v9, v7;
	v9 =	vor.u32 $0x708, v3  }
0x20f: {  	v11 =	vld.idx.msk [tilespmem:v11+s7+$0x0], $0xffff  }
0x210: {  	v7 =	vadd.f32 v8, v7;
	v8 =	vor.u32 $0x709, v3  }
0x211: {  	v12 =	vld.idx.msk [tilespmem:v12+s7+$0x0], $0xffff  }
0x212: {  	v7 =	vadd.f32 v10, v7;
	v10 =	vor.u32 $0x70A, v3  }
0x213: {  	v9 =	vld.idx.msk [tilespmem:v9+s7+$0x0], $0xffff  }
0x214: {  	v7 =	vadd.f32 v11, v7;
	v11 =	vor.u32 $0x70B, v3  }
0x215: {  	v8 =	vld.idx.msk [tilespmem:v8+s7+$0x0], $0xffff  }
0x216: {  	v7 =	vadd.f32 v12, v7;
	v12 =	vor.u32 $0x70C, v3  }
0x217: {  	v10 =	vld.idx.msk [tilespmem:v10+s7+$0x0], $0xffff  }
0x218: {  	v7 =	vadd.f32 v9, v7;
	v9 =	vor.u32 $0x70D, v3  }
0x219: {  	v11 =	vld.idx.msk [tilespmem:v11+s7+$0x0], $0xffff  }
0x21a: {  	v7 =	vadd.f32 v8, v7;
	v8 =	vor.u32 $0x70E, v3  }
0x21b: {  	v12 =	vld.idx.msk [tilespmem:v12+s7+$0x0], $0xffff  }
0x21c: {  	v7 =	vadd.f32 v10, v7;
	v10 =	vor.u32 $0x70F, v3  }
0x21d: {  	v9 =	vld.idx.msk [tilespmem:v9+s7+$0x0], $0xffff  }
0x21e: {  	v7 =	vadd.f32 v11, v7  }
0x21f: {  	v8 =	vld.idx.msk [tilespmem:v8+s7+$0x0], $0xffff  }
0x220: {  	v7 =	vadd.f32 v12, v7  }
0x221: {  	v10 =	vld.idx.msk [tilespmem:v10+s7+$0x0], $0xffff  }
0x222: {  	v7 =	vadd.f32 v9, v7;
	_ =	sdelay $0x1  }
0x223: {  	v7 =	vadd.f32 v8, v7;
	_ =	sdelay $0x1  }
0x224: {  	s9 =	sadd.s32 $0x1, s9;
	v7 =	vadd.f32 v10, v7  }
0x225: {  	p0 =	sne.s32 s9, s5  }
.Ltmp1:
0x226: {  	[tilespmem:$0x10810] =	vst v7;
	(pc) =	sbr.rel @p0 .LBB2_1-.Ltmp1, $4  }
0x227: {  	[hbm4b:s4+s2] =	stream.linear.scatter [tilespmem:s8], [sflag:$0x1], $0x80, $0x38;
	[tilespmem:$0x10880] =	vst v63  }
0x228: {  	_ =	swait.ge [sflag:s6], $0x80  }
0x229: {  	[sflag:s6] =	ssyncset.done $0x0  }
0x22a: {  	[sflag:s6] =	ssyncadd.s32 $0xFFFFFF80  }
0x22b: {  	_ =	sfence.sel $0x180000  }
0x22c: {  	[bflag:$0x0] =	sbarrier.arrive $0xFFFF  }
0x22d: {  	p0 =	sne.s32 s1, $0x0;
	_ =	strace $0x90000047  }
0x22e: {  	s0 =	sadd.s32 @!p0 $0x100000, s0;
	[bflag:$0x2] =	sbarrier.arrive $0xFFFF  }
0x22f: {  	[sflag:s0] =	ssyncadd.tile.s32 @!p0 $0x1;
	_ =	shalt  }
.Lfunc_end2:
_tile_overlayer_lowered:
.L_overlay_start_2:
0x230: {  	(tag) =	ssettag $0x2  }
0x231: {  	s0 =	rddreg [dreg:$0x0];
	s2 =	stileid.u32  }
0x232: {  	s1 =	rddreg [dreg:$0x1];
	p0 =	sne.s32 s2, $0x0  }
0x233: {  	s3 =	rddreg [dreg:$0x2];
	[bflag:$0x3] =	sbarrier.arrive $0xFFFF;
	s2 =	simm.s32 @!p0 $0x1C01  }
0x234: {  	[timem:s3], [sflag:s2] =	dma.local @!p0 [hbm:s0], s1  }
0x235: {  	s0 =	simm.s32 @!p0 $0x1  }
0x236: {  	_ =	swait.ge @!p0 [sflag:s0], s1  }
0x237: {  	s1 =	ssub.s32 @!p0 $0x0, s1;
	[sflag:s0] =	ssyncset.done @!p0 $0x0  }
0x238: {  	[sflag:s0] =	ssyncadd.s32 @!p0 s1  }
0x239: {  	[bflag:$0x3] =	sbarrier.arrive $0xFFFF  }
0x23a: {  	_ =	shalt  }

</sc_bundles>
